<compile_context>
chip_gen: v7x
topology: tpu7x:2x2x1
jax: 0.10.2.dev20260603
libtpu: 0.0.44.dev20260713+nightly
codegen_flags: <defaults>
</compile_context>

<pallas_src>
import functools

import jax
import jax.numpy as jnp
from jax import lax
from jax.experimental import pallas as pl
from jax.experimental.pallas import tpu as pltpu
from jax.experimental.pallas import tpu_sc as plsc

N_NODES = 10000
NP = 10240
E = 320000
NC, NS, LANES = 2, 16, 16
NW = NC * NS
CHUNK = 128
TPW = 80
HTPW = TPW // 2
EP = NW * TPW * CHUNK
NFEAT = 128
NHID = 128
NCLASS = 16
ROWS_PT = NP // NS

_mesh = plsc.VectorSubcoreMesh(
    core_axis_name="c", subcore_axis_name="s", num_cores=NC, num_subcores=NS)


@functools.partial(
    pl.kernel,
    out_type=jax.ShapeDtypeStruct((NC, 2, NP), jnp.float32),
    mesh=_mesh,
    scratch_types=[
        pltpu.VMEM((TPW, CHUNK), jnp.int32),
        pltpu.VMEM((TPW, CHUNK), jnp.int32),
        pltpu.VMEM((CHUNK,), jnp.float32),
        pltpu.VMEM_SHARED((NP,), jnp.float32),
        pltpu.VMEM_SHARED((NP,), jnp.float32),
        pltpu.SemaphoreType.DMA,
        pltpu.SemaphoreType.DMA,
    ],
)
def _degree_kernel(src_hbm, dst_hbm, zeros_hbm, out_hbm,
                   src_v, dst_v, ones_v, dego_sh, degi_sh, dsem0, dsem1):
    cid = lax.axis_index("c")
    sid = lax.axis_index("s")
    wid = cid * NS + sid

    @pl.when(sid == 0)
    def _():
        pltpu.sync_copy(zeros_hbm, dego_sh)
        pltpu.sync_copy(zeros_hbm, degi_sh)

    pltpu.sync_copy(src_hbm.at[wid], src_v)
    pltpu.sync_copy(dst_hbm.at[wid], dst_v)
    for i in range(CHUNK // LANES):
        ones_v[pl.ds(i * LANES, LANES)] = jnp.ones((LANES,), jnp.float32)
    plsc.subcore_barrier()

    def body(j, carry):
        pltpu.async_copy(ones_v, dego_sh.at[src_v.at[j]], dsem0, add=True)
        pltpu.async_copy(ones_v, degi_sh.at[dst_v.at[j]], dsem1, add=True)
        pltpu.make_async_copy(ones_v, dego_sh.at[src_v.at[j]], dsem0).wait()
        pltpu.make_async_copy(ones_v, degi_sh.at[dst_v.at[j]], dsem1).wait()
        return carry

    lax.fori_loop(0, TPW, body, 0)
    plsc.subcore_barrier()

    r0 = sid * ROWS_PT
    pltpu.sync_copy(dego_sh.at[pl.ds(r0, ROWS_PT)],
                    out_hbm.at[cid, 0, pl.ds(r0, ROWS_PT)])
    pltpu.sync_copy(degi_sh.at[pl.ds(r0, ROWS_PT)],
                    out_hbm.at[cid, 1, pl.ds(r0, ROWS_PT)])


@functools.partial(
    pl.kernel,
    out_type=jax.ShapeDtypeStruct((NC, NP, NHID), jnp.float32),
    mesh=_mesh,
    scratch_types=[
        pltpu.VMEM((HTPW, CHUNK), jnp.int32),
        pltpu.VMEM((HTPW, CHUNK), jnp.int32),
        pltpu.VMEM((CHUNK, NHID), jnp.float32),
        pltpu.VMEM((CHUNK, NHID), jnp.float32),
        pltpu.VMEM_SHARED((NP, NHID), jnp.float32),
        pltpu.SemaphoreType.DMA,
        pltpu.SemaphoreType.DMA,
    ],
)
def _scatter_kernel(h_hbm, src_hbm, dst_hbm, out_hbm,
                    src_v, dst_v, rows0_v, rows1_v, agg_sh, sem0, sem1):
    cid = lax.axis_index("c")
    sid = lax.axis_index("s")
    wid = cid * NS + sid
    r0 = sid * ROWS_PT

    def zbody(j, carry):
        for i in range(CHUNK // LANES):
            rows0_v[j, pl.ds(i * LANES, LANES)] = jnp.zeros((LANES,),
                                                            jnp.float32)
        return carry

    lax.fori_loop(0, CHUNK, zbody, 0)
    for k in range(ROWS_PT // CHUNK):
        pltpu.sync_copy(rows0_v, agg_sh.at[pl.ds(r0 + k * CHUNK, CHUNK)])
    plsc.subcore_barrier()

    for phase in range(2):
        pltpu.sync_copy(src_hbm.at[wid, pl.ds(phase * HTPW, HTPW)], src_v)
        pltpu.sync_copy(dst_hbm.at[wid, pl.ds(phase * HTPW, HTPW)], dst_v)
        pltpu.async_copy(h_hbm.at[src_v.at[0]], rows0_v, sem0)

        def body(g, carry):
            j0 = 2 * g
            pltpu.make_async_copy(h_hbm.at[src_v.at[j0]], rows0_v, sem0).wait()
            pltpu.async_copy(h_hbm.at[src_v.at[j0 + 1]], rows1_v, sem1)
            pltpu.sync_copy(rows0_v, agg_sh.at[dst_v.at[j0]], add=True)
            pltpu.make_async_copy(h_hbm.at[src_v.at[j0 + 1]], rows1_v,
                                  sem1).wait()
            pltpu.async_copy(h_hbm.at[src_v.at[j0 + 2]], rows0_v, sem0)
            pltpu.sync_copy(rows1_v, agg_sh.at[dst_v.at[j0 + 1]], add=True)
            return carry

        lax.fori_loop(0, HTPW // 2 - 1, body, 0)
        pltpu.make_async_copy(h_hbm.at[src_v.at[HTPW - 2]], rows0_v,
                              sem0).wait()
        pltpu.async_copy(h_hbm.at[src_v.at[HTPW - 1]], rows1_v, sem1)
        pltpu.sync_copy(rows0_v, agg_sh.at[dst_v.at[HTPW - 2]], add=True)
        pltpu.make_async_copy(h_hbm.at[src_v.at[HTPW - 1]], rows1_v,
                              sem1).wait()
        pltpu.sync_copy(rows1_v, agg_sh.at[dst_v.at[HTPW - 1]], add=True)
    plsc.subcore_barrier()

    pltpu.sync_copy(agg_sh.at[pl.ds(r0, ROWS_PT)],
                    out_hbm.at[cid, pl.ds(r0, ROWS_PT)])


BLK = 1024


def _mm1_body(degp_ref, x_ref, w_ref, h_ref):
    dp = degp_ref[...]
    deg = dp[0, 0, :] + dp[1, 0, :]
    norm = jnp.where(deg > 0, lax.rsqrt(jnp.maximum(deg, 1e-12)), 0.0)
    h_ref[...] = jnp.dot(x_ref[...] * norm[:, None], w_ref[...],
                         preferred_element_type=jnp.float32)


_h_call = pl.pallas_call(
    _mm1_body,
    grid=(NP // BLK,),
    in_specs=[
        pl.BlockSpec((NC, 2, BLK), lambda i: (0, 0, i)),
        pl.BlockSpec((BLK, NFEAT), lambda i: (i, 0)),
        pl.BlockSpec((NFEAT, NHID), lambda i: (0, 0)),
    ],
    out_specs=pl.BlockSpec((BLK, NHID), lambda i: (i, 0)),
    out_shape=jax.ShapeDtypeStruct((NP, NHID), jnp.float32),
)


def _mm2_body(aggp_ref, degp_ref, b1_ref, fcw_ref, fcb_ref, out_ref):
    ap = aggp_ref[...]
    agg = ap[0] + ap[1]
    dp = degp_ref[...]
    deg = dp[0, 1, :] + dp[1, 1, :]
    norm = jnp.where(deg > 0, lax.rsqrt(jnp.maximum(deg, 1e-12)), 0.0)
    h = jnp.maximum(agg * norm[:, None] + b1_ref[...], 0.0)
    out_ref[...] = (jnp.dot(h, fcw_ref[...], preferred_element_type=jnp.float32)
                    + fcb_ref[...])


_fc_call = pl.pallas_call(
    _mm2_body,
    grid=(NP // BLK,),
    in_specs=[
        pl.BlockSpec((NC, BLK, NHID), lambda i: (0, i, 0)),
        pl.BlockSpec((NC, 2, BLK), lambda i: (0, 0, i)),
        pl.BlockSpec((1, NHID), lambda i: (0, 0)),
        pl.BlockSpec((NHID, NCLASS), lambda i: (0, 0)),
        pl.BlockSpec((1, NCLASS), lambda i: (0, 0)),
    ],
    out_specs=pl.BlockSpec((BLK, NCLASS), lambda i: (i, 0)),
    out_shape=jax.ShapeDtypeStruct((NP, NCLASS), jnp.float32),
)


def kernel(edge_index, x, W1, b1, fc_W, fc_b):
    src = edge_index[0]
    dst = edge_index[1]
    pad = EP - E
    fill = N_NODES + (jnp.arange(pad, dtype=jnp.int32) % (NP - N_NODES))
    src_r = jnp.concatenate([src, fill]).reshape(NW, TPW, CHUNK)
    dst_r = jnp.concatenate([dst, fill]).reshape(NW, TPW, CHUNK)
    xp = jnp.zeros((NP, NFEAT), x.dtype).at[:N_NODES].set(x)
    zeros1 = jnp.zeros((NP,), jnp.float32)

    degp = _degree_kernel(src_r, dst_r, zeros1)
    h = _h_call(degp, xp, W1)
    aggp = _scatter_kernel(h, src_r, dst_r)
    out = _fc_call(aggp, degp, b1.reshape(1, NHID), fc_W,
                   fc_b.reshape(1, NCLASS))
    return out[:N_NODES]

# --- scband reference (transcript-rebuilt; emitter-appended) ---
"""Pipeline reference for scband-gcn-37151467111211 (READ-ONLY COPY).

The authoritative reference and input builder live on the scoring server;
editing this copy changes nothing except your own understanding.
"""

import jax, jax.numpy as jnp
import numpy as np

N_NODES = 10000
N_EDGES = 320000
NFEAT = 128
NHID = 128
NCLASS = 16


def setup_inputs(seed: int = 0) -> dict:
    key = jax.random.key(seed)
    k1, k2, k3, k4, k5, k6 = jax.random.split(key, 6)
    edge_index = jax.random.randint(k1, (2, N_EDGES), 0, N_NODES, dtype=jnp.int64 if jax.config.jax_enable_x64 else jnp.int32).astype(jnp.int32)
    x = jax.random.normal(k2, (N_NODES, NFEAT), dtype=jnp.float32)
    # GraphConv (DGL-style, norm='both') weight + bias
    W1 = jax.random.normal(k3, (NFEAT, NHID), dtype=jnp.float32) * (1.0 / np.sqrt(NFEAT))
    b1 = jnp.zeros((NHID,), dtype=jnp.float32)
    # final fc layer
    fc_W = jax.random.normal(k4, (NHID, NCLASS), dtype=jnp.float32) * (1.0 / np.sqrt(NHID))
    fc_b = jnp.zeros((NCLASS,), dtype=jnp.float32)
    return {"edge_index": edge_index, "x": x, "W1": W1, "b1": b1, "fc_W": fc_W, "fc_b": fc_b}


def _graphconv_both(x, src, dst, W, b, n_nodes):
    # DGL GraphConv with norm='both': D_dst^{-1/2} A D_src^{-1/2} X W + b
    deg_out = jnp.zeros((n_nodes,), dtype=jnp.float32).at[src].add(1.0)
    deg_in = jnp.zeros((n_nodes,), dtype=jnp.float32).at[dst].add(1.0)
    norm_src = jnp.where(deg_out > 0, jax.lax.rsqrt(jnp.maximum(deg_out, 1e-12)), 0.0)
    norm_dst = jnp.where(deg_in > 0, jax.lax.rsqrt(jnp.maximum(deg_in, 1e-12)), 0.0)
    h = x * norm_src[:, None]
    # in_feats >= out_feats: multiply by W first, then aggregate
    h = h @ W
    msgs = jnp.take(h, src, axis=0)
    agg = jnp.zeros((n_nodes, h.shape[1]), dtype=h.dtype).at[dst].add(msgs)
    agg = agg * norm_dst[:, None]
    return agg + b


def reference(edge_index, x, W1, b1, fc_W, fc_b):
    src = edge_index[0]
    dst = edge_index[1]
    h = _graphconv_both(x, src, dst, W1, b1, N_NODES)
    h = jax.nn.relu(h)
    # dropout is identity in eval mode
    out = h @ fc_W + fc_b
    return out

if __name__ == "__main__":
    import jax
    _d = setup_inputs()
    print(jax.jit(kernel)(*tuple(_d.values())))

</pallas_src>

<mosaic_0001>
#map = affine_map<(d0, d1) -> (0, 0)>
#map1 = affine_map<(d0, d1) -> (0, 0, 0)>
module attributes {stable_mosaic.version = 14 : i64} {
  func.func @_scatter_kernel(%arg0: i32, %arg1: i32, %arg2: memref<10240x128xf32, #tpu.memory_space<hbm>>, %arg3: memref<32x80x128xi32, #tpu.memory_space<hbm>>, %arg4: memref<32x80x128xi32, #tpu.memory_space<hbm>>, %arg5: memref<2x10240x128xf32, #tpu.memory_space<hbm>>, %arg6: memref<40x128xi32, #tpu.memory_space<vmem>>, %arg7: memref<40x128xi32, #tpu.memory_space<vmem>>, %arg8: memref<128x128xf32, #tpu.memory_space<vmem>>, %arg9: memref<128x128xf32, #tpu.memory_space<vmem>>, %arg10: memref<10240x128xf32, #tpu.memory_space<vmem_shared>>, %arg11: memref<!tpu.dma_semaphore, #tpu.memory_space<semaphore_mem>>, %arg12: memref<!tpu.dma_semaphore, #tpu.memory_space<semaphore_mem>>) attributes {dimension_semantics = [#tpu.dimension_semantics<core_parallel>, #tpu.dimension_semantics<subcore_parallel>], iteration_bounds = array<i64: 2, 16>, scalar_prefetch = 0 : i64, scratch_operands = 7 : i64, tpu.core_type = #tpu.core_type<sc_vector_subcore>, window_params = [{transform_indices = #map}, {transform_indices = #map1}, {transform_indices = #map1}, {transform_indices = #map1}]} {
    %mul3A = arith.constant 16 : i32
    %mul3A_0 = arith.muli %arg0, %mul3A : i32
    %add3A = arith.addi %mul3A_0, %arg1 : i32
    %mul3A_1 = arith.constant 640 : i32
    %mul3A_2 = arith.muli %arg1, %mul3A_1 : i32
    %scan3A = arith.constant 0 : i32
    %scan3A_3 = arith.constant 0 : i32
    %scan3A_4 = arith.constant 128 : i32
    %scan3A_5 = arith.addi %scan3A_3, %scan3A_4 : i32
    %scan3A_6 = arith.constant 1 : i32
    scf.for %scan3A_88 = %scan3A_3 to %scan3A_5 step %scan3A_6  : i32 {
      %broadcast_in_dim3A = arith.constant 0.000000e+00 : f32
      %broadcast_in_dim3A_89 = vector.broadcast %broadcast_in_dim3A : f32 to vector<16xf32>
      %swap3A = arith.index_cast %scan3A_88 : i32 to index
      %swap3A_90 = arith.constant 0 : index
      %swap3A_91 = tpu.vector_load %arg8[%swap3A, %swap3A_90] {strides = array<i32>} : memref<128x128xf32, #tpu.memory_space<vmem>>, vector<1x16xf32>,
      %swap3A_92 = vector.shape_cast %swap3A_91 : vector<1x16xf32> to vector<16xf32>
      %swap3A_93 = vector.shape_cast %broadcast_in_dim3A_89 : vector<16xf32> to vector<1x16xf32>
      tpu.vector_store %arg8[%swap3A, %swap3A_90], %swap3A_93 {strides = array<i32>} : memref<128x128xf32, #tpu.memory_space<vmem>>, vector<1x16xf32>,
      %broadcast_in_dim3A_94 = arith.constant 0.000000e+00 : f32
      %broadcast_in_dim3A_95 = vector.broadcast %broadcast_in_dim3A_94 : f32 to vector<16xf32>
      %swap3A_96 = arith.index_cast %scan3A_88 : i32 to index
      %swap3A_97 = arith.constant 16 : index
      %swap3A_98 = tpu.vector_load %arg8[%swap3A_96, %swap3A_97] {strides = array<i32>} : memref<128x128xf32, #tpu.memory_space<vmem>>, vector<1x16xf32>,
      %swap3A_99 = vector.shape_cast %swap3A_98 : vector<1x16xf32> to vector<16xf32>
      %swap3A_100 = vector.shape_cast %broadcast_in_dim3A_95 : vector<16xf32> to vector<1x16xf32>
      tpu.vector_store %arg8[%swap3A_96, %swap3A_97], %swap3A_100 {strides = array<i32>} : memref<128x128xf32, #tpu.memory_space<vmem>>, vector<1x16xf32>,
      %broadcast_in_dim3A_101 = arith.constant 0.000000e+00 : f32
      %broadcast_in_dim3A_102 = vector.broadcast %broadcast_in_dim3A_101 : f32 to vector<16xf32>
      %swap3A_103 = arith.index_cast %scan3A_88 : i32 to index
      %swap3A_104 = arith.constant 32 : index
      %swap3A_105 = tpu.vector_load %arg8[%swap3A_103, %swap3A_104] {strides = array<i32>} : memref<128x128xf32, #tpu.memory_space<vmem>>, vector<1x16xf32>,
      %swap3A_106 = vector.shape_cast %swap3A_105 : vector<1x16xf32> to vector<16xf32>
      %swap3A_107 = vector.shape_cast %broadcast_in_dim3A_102 : vector<16xf32> to vector<1x16xf32>
      tpu.vector_store %arg8[%swap3A_103, %swap3A_104], %swap3A_107 {strides = array<i32>} : memref<128x128xf32, #tpu.memory_space<vmem>>, vector<1x16xf32>,
      %broadcast_in_dim3A_108 = arith.constant 0.000000e+00 : f32
      %broadcast_in_dim3A_109 = vector.broadcast %broadcast_in_dim3A_108 : f32 to vector<16xf32>
      %swap3A_110 = arith.index_cast %scan3A_88 : i32 to index
      %swap3A_111 = arith.constant 48 : index
      %swap3A_112 = tpu.vector_load %arg8[%swap3A_110, %swap3A_111] {strides = array<i32>} : memref<128x128xf32, #tpu.memory_space<vmem>>, vector<1x16xf32>,
      %swap3A_113 = vector.shape_cast %swap3A_112 : vector<1x16xf32> to vector<16xf32>
      %swap3A_114 = vector.shape_cast %broadcast_in_dim3A_109 : vector<16xf32> to vector<1x16xf32>
      tpu.vector_store %arg8[%swap3A_110, %swap3A_111], %swap3A_114 {strides = array<i32>} : memref<128x128xf32, #tpu.memory_space<vmem>>, vector<1x16xf32>,
      %broadcast_in_dim3A_115 = arith.constant 0.000000e+00 : f32
      %broadcast_in_dim3A_116 = vector.broadcast %broadcast_in_dim3A_115 : f32 to vector<16xf32>
      %swap3A_117 = arith.index_cast %scan3A_88 : i32 to index
      %swap3A_118 = arith.constant 64 : index
      %swap3A_119 = tpu.vector_load %arg8[%swap3A_117, %swap3A_118] {strides = array<i32>} : memref<128x128xf32, #tpu.memory_space<vmem>>, vector<1x16xf32>,
      %swap3A_120 = vector.shape_cast %swap3A_119 : vector<1x16xf32> to vector<16xf32>
      %swap3A_121 = vector.shape_cast %broadcast_in_dim3A_116 : vector<16xf32> to vector<1x16xf32>
      tpu.vector_store %arg8[%swap3A_117, %swap3A_118], %swap3A_121 {strides = array<i32>} : memref<128x128xf32, #tpu.memory_space<vmem>>, vector<1x16xf32>,
      %broadcast_in_dim3A_122 = arith.constant 0.000000e+00 : f32
      %broadcast_in_dim3A_123 = vector.broadcast %broadcast_in_dim3A_122 : f32 to vector<16xf32>
      %swap3A_124 = arith.index_cast %scan3A_88 : i32 to index
      %swap3A_125 = arith.constant 80 : index
      %swap3A_126 = tpu.vector_load %arg8[%swap3A_124, %swap3A_125] {strides = array<i32>} : memref<128x128xf32, #tpu.memory_space<vmem>>, vector<1x16xf32>,
      %swap3A_127 = vector.shape_cast %swap3A_126 : vector<1x16xf32> to vector<16xf32>
      %swap3A_128 = vector.shape_cast %broadcast_in_dim3A_123 : vector<16xf32> to vector<1x16xf32>
      tpu.vector_store %arg8[%swap3A_124, %swap3A_125], %swap3A_128 {strides = array<i32>} : memref<128x128xf32, #tpu.memory_space<vmem>>, vector<1x16xf32>,
      %broadcast_in_dim3A_129 = arith.constant 0.000000e+00 : f32
      %broadcast_in_dim3A_130 = vector.broadcast %broadcast_in_dim3A_129 : f32 to vector<16xf32>
      %swap3A_131 = arith.index_cast %scan3A_88 : i32 to index
      %swap3A_132 = arith.constant 96 : index
      %swap3A_133 = tpu.vector_load %arg8[%swap3A_131, %swap3A_132] {strides = array<i32>} : memref<128x128xf32, #tpu.memory_space<vmem>>, vector<1x16xf32>,
      %swap3A_134 = vector.shape_cast %swap3A_133 : vector<1x16xf32> to vector<16xf32>
      %swap3A_135 = vector.shape_cast %broadcast_in_dim3A_130 : vector<16xf32> to vector<1x16xf32>
      tpu.vector_store %arg8[%swap3A_131, %swap3A_132], %swap3A_135 {strides = array<i32>} : memref<128x128xf32, #tpu.memory_space<vmem>>, vector<1x16xf32>,
      %broadcast_in_dim3A_136 = arith.constant 0.000000e+00 : f32
      %broadcast_in_dim3A_137 = vector.broadcast %broadcast_in_dim3A_136 : f32 to vector<16xf32>
      %swap3A_138 = arith.index_cast %scan3A_88 : i32 to index
      %swap3A_139 = arith.constant 112 : index
      %swap3A_140 = tpu.vector_load %arg8[%swap3A_138, %swap3A_139] {strides = array<i32>} : memref<128x128xf32, #tpu.memory_space<vmem>>, vector<1x16xf32>,
      %swap3A_141 = vector.shape_cast %swap3A_140 : vector<1x16xf32> to vector<16xf32>
      %swap3A_142 = vector.shape_cast %broadcast_in_dim3A_137 : vector<16xf32> to vector<1x16xf32>
      tpu.vector_store %arg8[%swap3A_138, %swap3A_139], %swap3A_142 {strides = array<i32>} : memref<128x128xf32, #tpu.memory_space<vmem>>, vector<1x16xf32>,
    }
    %scan3A_7 = arith.constant 128 : i32
    %add3A_8 = arith.constant 0 : i32
    %add3A_9 = arith.addi %mul3A_2, %add3A_8 : i32
    "tpu.region"() ({
      %run_scoped3A_88 = tpu.sem_alloc : memref<!tpu.dma_semaphore, #tpu.memory_space<semaphore_mem>>
      %dma_start3A_89 = arith.constant 0 : i32
      %dma_start3A_90 = tpu.memref_slice %arg10[%add3A_9, %dma_start3A_89] : memref<10240x128xf32, #tpu.memory_space<vmem_shared>> -> memref<128x128xf32, #tpu.memory_space<vmem_shared>>
      %dma_start3A_91 = arith.constant 0 : i32
      %dma_start3A_92 = tpu.memref_slice %arg10[%add3A_9, %dma_start3A_91] : memref<10240x128xf32, #tpu.memory_space<vmem_shared>> -> memref<128x128xf32, #tpu.memory_space<vmem_shared>>
      tpu.enqueue_dma source(%arg8 : memref<128x128xf32, #tpu.memory_space<vmem>>) target(%dma_start3A_92 : memref<128x128xf32, #tpu.memory_space<vmem_shared>>) target_semaphore(%run_scoped3A_88 : memref<!tpu.dma_semaphore, #tpu.memory_space<semaphore_mem>>)
      %dma_wait3A_93 = arith.constant 0 : i32
      %dma_wait3A_94 = tpu.memref_slice %arg10[%add3A_9, %dma_wait3A_93] : memref<10240x128xf32, #tpu.memory_space<vmem_shared>> -> memref<128x128xf32, #tpu.memory_space<vmem_shared>>
      %dma_wait3A_95 = arith.constant 0 : i32
      %dma_wait3A_96 = tpu.memref_slice %arg10[%add3A_9, %dma_wait3A_95] : memref<10240x128xf32, #tpu.memory_space<vmem_shared>> -> memref<128x128xf32, #tpu.memory_space<vmem_shared>>
      tpu.wait_dma2 semaphore(%run_scoped3A_88 : memref<!tpu.dma_semaphore, #tpu.memory_space<semaphore_mem>>) src(%arg8 : memref<128x128xf32, #tpu.memory_space<vmem>>) dst(%dma_wait3A_96 : memref<128x128xf32, #tpu.memory_space<vmem_shared>>)
      tpu.yield
    }) : () -> ()
    %add3A_10 = arith.constant 128 : i32
    %add3A_11 = arith.addi %mul3A_2, %add3A_10 : i32
    "tpu.region"() ({
      %run_scoped3A_88 = tpu.sem_alloc : memref<!tpu.dma_semaphore, #tpu.memory_space<semaphore_mem>>
      %dma_start3A_89 = arith.constant 0 : i32
      %dma_start3A_90 = tpu.memref_slice %arg10[%add3A_11, %dma_start3A_89] : memref<10240x128xf32, #tpu.memory_space<vmem_shared>> -> memref<128x128xf32, #tpu.memory_space<vmem_shared>>
      %dma_start3A_91 = arith.constant 0 : i32
      %dma_start3A_92 = tpu.memref_slice %arg10[%add3A_11, %dma_start3A_91] : memref<10240x128xf32, #tpu.memory_space<vmem_shared>> -> memref<128x128xf32, #tpu.memory_space<vmem_shared>>
      tpu.enqueue_dma source(%arg8 : memref<128x128xf32, #tpu.memory_space<vmem>>) target(%dma_start3A_92 : memref<128x128xf32, #tpu.memory_space<vmem_shared>>) target_semaphore(%run_scoped3A_88 : memref<!tpu.dma_semaphore, #tpu.memory_space<semaphore_mem>>)
      %dma_wait3A_93 = arith.constant 0 : i32
      %dma_wait3A_94 = tpu.memref_slice %arg10[%add3A_11, %dma_wait3A_93] : memref<10240x128xf32, #tpu.memory_space<vmem_shared>> -> memref<128x128xf32, #tpu.memory_space<vmem_shared>>
      %dma_wait3A_95 = arith.constant 0 : i32
      %dma_wait3A_96 = tpu.memref_slice %arg10[%add3A_11, %dma_wait3A_95] : memref<10240x128xf32, #tpu.memory_space<vmem_shared>> -> memref<128x128xf32, #tpu.memory_space<vmem_shared>>
      tpu.wait_dma2 semaphore(%run_scoped3A_88 : memref<!tpu.dma_semaphore, #tpu.memory_space<semaphore_mem>>) src(%arg8 : memref<128x128xf32, #tpu.memory_space<vmem>>) dst(%dma_wait3A_96 : memref<128x128xf32, #tpu.memory_space<vmem_shared>>)
      tpu.yield
    }) : () -> ()
    %add3A_12 = arith.constant 256 : i32
    %add3A_13 = arith.addi %mul3A_2, %add3A_12 : i32
    "tpu.region"() ({
      %run_scoped3A_88 = tpu.sem_alloc : memref<!tpu.dma_semaphore, #tpu.memory_space<semaphore_mem>>
      %dma_start3A_89 = arith.constant 0 : i32
      %dma_start3A_90 = tpu.memref_slice %arg10[%add3A_13, %dma_start3A_89] : memref<10240x128xf32, #tpu.memory_space<vmem_shared>> -> memref<128x128xf32, #tpu.memory_space<vmem_shared>>
      %dma_start3A_91 = arith.constant 0 : i32
      %dma_start3A_92 = tpu.memref_slice %arg10[%add3A_13, %dma_start3A_91] : memref<10240x128xf32, #tpu.memory_space<vmem_shared>> -> memref<128x128xf32, #tpu.memory_space<vmem_shared>>
      tpu.enqueue_dma source(%arg8 : memref<128x128xf32, #tpu.memory_space<vmem>>) target(%dma_start3A_92 : memref<128x128xf32, #tpu.memory_space<vmem_shared>>) target_semaphore(%run_scoped3A_88 : memref<!tpu.dma_semaphore, #tpu.memory_space<semaphore_mem>>)
      %dma_wait3A_93 = arith.constant 0 : i32
      %dma_wait3A_94 = tpu.memref_slice %arg10[%add3A_13, %dma_wait3A_93] : memref<10240x128xf32, #tpu.memory_space<vmem_shared>> -> memref<128x128xf32, #tpu.memory_space<vmem_shared>>
      %dma_wait3A_95 = arith.constant 0 : i32
      %dma_wait3A_96 = tpu.memref_slice %arg10[%add3A_13, %dma_wait3A_95] : memref<10240x128xf32, #tpu.memory_space<vmem_shared>> -> memref<128x128xf32, #tpu.memory_space<vmem_shared>>
      tpu.wait_dma2 semaphore(%run_scoped3A_88 : memref<!tpu.dma_semaphore, #tpu.memory_space<semaphore_mem>>) src(%arg8 : memref<128x128xf32, #tpu.memory_space<vmem>>) dst(%dma_wait3A_96 : memref<128x128xf32, #tpu.memory_space<vmem_shared>>)
      tpu.yield
    }) : () -> ()
    %add3A_14 = arith.constant 384 : i32
    %add3A_15 = arith.addi %mul3A_2, %add3A_14 : i32
    "tpu.region"() ({
      %run_scoped3A_88 = tpu.sem_alloc : memref<!tpu.dma_semaphore, #tpu.memory_space<semaphore_mem>>
      %dma_start3A_89 = arith.constant 0 : i32
      %dma_start3A_90 = tpu.memref_slice %arg10[%add3A_15, %dma_start3A_89] : memref<10240x128xf32, #tpu.memory_space<vmem_shared>> -> memref<128x128xf32, #tpu.memory_space<vmem_shared>>
      %dma_start3A_91 = arith.constant 0 : i32
      %dma_start3A_92 = tpu.memref_slice %arg10[%add3A_15, %dma_start3A_91] : memref<10240x128xf32, #tpu.memory_space<vmem_shared>> -> memref<128x128xf32, #tpu.memory_space<vmem_shared>>
      tpu.enqueue_dma source(%arg8 : memref<128x128xf32, #tpu.memory_space<vmem>>) target(%dma_start3A_92 : memref<128x128xf32, #tpu.memory_space<vmem_shared>>) target_semaphore(%run_scoped3A_88 : memref<!tpu.dma_semaphore, #tpu.memory_space<semaphore_mem>>)
      %dma_wait3A_93 = arith.constant 0 : i32
      %dma_wait3A_94 = tpu.memref_slice %arg10[%add3A_15, %dma_wait3A_93] : memref<10240x128xf32, #tpu.memory_space<vmem_shared>> -> memref<128x128xf32, #tpu.memory_space<vmem_shared>>
      %dma_wait3A_95 = arith.constant 0 : i32
      %dma_wait3A_96 = tpu.memref_slice %arg10[%add3A_15, %dma_wait3A_95] : memref<10240x128xf32, #tpu.memory_space<vmem_shared>> -> memref<128x128xf32, #tpu.memory_space<vmem_shared>>
      tpu.wait_dma2 semaphore(%run_scoped3A_88 : memref<!tpu.dma_semaphore, #tpu.memory_space<semaphore_mem>>) src(%arg8 : memref<128x128xf32, #tpu.memory_space<vmem>>) dst(%dma_wait3A_96 : memref<128x128xf32, #tpu.memory_space<vmem_shared>>)
      tpu.yield
    }) : () -> ()
    %add3A_16 = arith.constant 512 : i32
    %add3A_17 = arith.addi %mul3A_2, %add3A_16 : i32
    "tpu.region"() ({
      %run_scoped3A_88 = tpu.sem_alloc : memref<!tpu.dma_semaphore, #tpu.memory_space<semaphore_mem>>
      %dma_start3A_89 = arith.constant 0 : i32
      %dma_start3A_90 = tpu.memref_slice %arg10[%add3A_17, %dma_start3A_89] : memref<10240x128xf32, #tpu.memory_space<vmem_shared>> -> memref<128x128xf32, #tpu.memory_space<vmem_shared>>
      %dma_start3A_91 = arith.constant 0 : i32
      %dma_start3A_92 = tpu.memref_slice %arg10[%add3A_17, %dma_start3A_91] : memref<10240x128xf32, #tpu.memory_space<vmem_shared>> -> memref<128x128xf32, #tpu.memory_space<vmem_shared>>
      tpu.enqueue_dma source(%arg8 : memref<128x128xf32, #tpu.memory_space<vmem>>) target(%dma_start3A_92 : memref<128x128xf32, #tpu.memory_space<vmem_shared>>) target_semaphore(%run_scoped3A_88 : memref<!tpu.dma_semaphore, #tpu.memory_space<semaphore_mem>>)
      %dma_wait3A_93 = arith.constant 0 : i32
      %dma_wait3A_94 = tpu.memref_slice %arg10[%add3A_17, %dma_wait3A_93] : memref<10240x128xf32, #tpu.memory_space<vmem_shared>> -> memref<128x128xf32, #tpu.memory_space<vmem_shared>>
      %dma_wait3A_95 = arith.constant 0 : i32
      %dma_wait3A_96 = tpu.memref_slice %arg10[%add3A_17, %dma_wait3A_95] : memref<10240x128xf32, #tpu.memory_space<vmem_shared>> -> memref<128x128xf32, #tpu.memory_space<vmem_shared>>
      tpu.wait_dma2 semaphore(%run_scoped3A_88 : memref<!tpu.dma_semaphore, #tpu.memory_space<semaphore_mem>>) src(%arg8 : memref<128x128xf32, #tpu.memory_space<vmem>>) dst(%dma_wait3A_96 : memref<128x128xf32, #tpu.memory_space<vmem_shared>>)
      tpu.yield
    }) : () -> ()
    %barrier3A = arith.constant 0 : index
    tpu.barrier barrier_id(%barrier3A)
    "tpu.region"() ({
      %run_scoped3A_88 = tpu.sem_alloc : memref<!tpu.dma_semaphore, #tpu.memory_space<semaphore_mem>>
      %dma_start3A_89 = arith.constant 0 : i32
      %dma_start3A_90 = arith.constant 0 : i32
      %dma_start3A_91 = tpu.memref_slice %arg3[%add3A, %dma_start3A_89, %dma_start3A_90] : memref<32x80x128xi32, #tpu.memory_space<hbm>> -> memref<1x40x128xi32, #tpu.memory_space<hbm>>
      %dma_start3A_92 = tpu.memref_squeeze %dma_start3A_91 : memref<1x40x128xi32, #tpu.memory_space<hbm>> -> memref<40x128xi32, #tpu.memory_space<hbm>>
      %dma_start3A_93 = arith.constant 0 : i32
      %dma_start3A_94 = arith.constant 0 : i32
      %dma_start3A_95 = tpu.memref_slice %arg3[%add3A, %dma_start3A_93, %dma_start3A_94] : memref<32x80x128xi32, #tpu.memory_space<hbm>> -> memref<1x40x128xi32, #tpu.memory_space<hbm>>
      %dma_start3A_96 = tpu.memref_squeeze %dma_start3A_95 : memref<1x40x128xi32, #tpu.memory_space<hbm>> -> memref<40x128xi32, #tpu.memory_space<hbm>>
      tpu.enqueue_dma source(%dma_start3A_96 : memref<40x128xi32, #tpu.memory_space<hbm>>) target(%arg6 : memref<40x128xi32, #tpu.memory_space<vmem>>) target_semaphore(%run_scoped3A_88 : memref<!tpu.dma_semaphore, #tpu.memory_space<semaphore_mem>>)
      %dma_wait3A_97 = arith.constant 0 : i32
      %dma_wait3A_98 = arith.constant 0 : i32
      %dma_wait3A_99 = tpu.memref_slice %arg3[%add3A, %dma_wait3A_97, %dma_wait3A_98] : memref<32x80x128xi32, #tpu.memory_space<hbm>> -> memref<1x40x128xi32, #tpu.memory_space<hbm>>
      %dma_wait3A_100 = tpu.memref_squeeze %dma_wait3A_99 : memref<1x40x128xi32, #tpu.memory_space<hbm>> -> memref<40x128xi32, #tpu.memory_space<hbm>>
      %dma_wait3A_101 = arith.constant 0 : i32
      %dma_wait3A_102 = arith.constant 0 : i32
      %dma_wait3A_103 = tpu.memref_slice %arg3[%add3A, %dma_wait3A_101, %dma_wait3A_102] : memref<32x80x128xi32, #tpu.memory_space<hbm>> -> memref<1x40x128xi32, #tpu.memory_space<hbm>>
      %dma_wait3A_104 = tpu.memref_squeeze %dma_wait3A_103 : memref<1x40x128xi32, #tpu.memory_space<hbm>> -> memref<40x128xi32, #tpu.memory_space<hbm>>
      tpu.wait_dma2 semaphore(%run_scoped3A_88 : memref<!tpu.dma_semaphore, #tpu.memory_space<semaphore_mem>>) src(%dma_wait3A_104 : memref<40x128xi32, #tpu.memory_space<hbm>>) dst(%arg6 : memref<40x128xi32, #tpu.memory_space<vmem>>)
      tpu.yield
    }) : () -> ()
    "tpu.region"() ({
      %run_scoped3A_88 = tpu.sem_alloc : memref<!tpu.dma_semaphore, #tpu.memory_space<semaphore_mem>>
      %dma_start3A_89 = arith.constant 0 : i32
      %dma_start3A_90 = arith.constant 0 : i32
      %dma_start3A_91 = tpu.memref_slice %arg4[%add3A, %dma_start3A_89, %dma_start3A_90] : memref<32x80x128xi32, #tpu.memory_space<hbm>> -> memref<1x40x128xi32, #tpu.memory_space<hbm>>
      %dma_start3A_92 = tpu.memref_squeeze %dma_start3A_91 : memref<1x40x128xi32, #tpu.memory_space<hbm>> -> memref<40x128xi32, #tpu.memory_space<hbm>>
      %dma_start3A_93 = arith.constant 0 : i32
      %dma_start3A_94 = arith.constant 0 : i32
      %dma_start3A_95 = tpu.memref_slice %arg4[%add3A, %dma_start3A_93, %dma_start3A_94] : memref<32x80x128xi32, #tpu.memory_space<hbm>> -> memref<1x40x128xi32, #tpu.memory_space<hbm>>
      %dma_start3A_96 = tpu.memref_squeeze %dma_start3A_95 : memref<1x40x128xi32, #tpu.memory_space<hbm>> -> memref<40x128xi32, #tpu.memory_space<hbm>>
      tpu.enqueue_dma source(%dma_start3A_96 : memref<40x128xi32, #tpu.memory_space<hbm>>) target(%arg7 : memref<40x128xi32, #tpu.memory_space<vmem>>) target_semaphore(%run_scoped3A_88 : memref<!tpu.dma_semaphore, #tpu.memory_space<semaphore_mem>>)
      %dma_wait3A_97 = arith.constant 0 : i32
      %dma_wait3A_98 = arith.constant 0 : i32
      %dma_wait3A_99 = tpu.memref_slice %arg4[%add3A, %dma_wait3A_97, %dma_wait3A_98] : memref<32x80x128xi32, #tpu.memory_space<hbm>> -> memref<1x40x128xi32, #tpu.memory_space<hbm>>
      %dma_wait3A_100 = tpu.memref_squeeze %dma_wait3A_99 : memref<1x40x128xi32, #tpu.memory_space<hbm>> -> memref<40x128xi32, #tpu.memory_space<hbm>>
      %dma_wait3A_101 = arith.constant 0 : i32
      %dma_wait3A_102 = arith.constant 0 : i32
      %dma_wait3A_103 = tpu.memref_slice %arg4[%add3A, %dma_wait3A_101, %dma_wait3A_102] : memref<32x80x128xi32, #tpu.memory_space<hbm>> -> memref<1x40x128xi32, #tpu.memory_space<hbm>>
      %dma_wait3A_104 = tpu.memref_squeeze %dma_wait3A_103 : memref<1x40x128xi32, #tpu.memory_space<hbm>> -> memref<40x128xi32, #tpu.memory_space<hbm>>
      tpu.wait_dma2 semaphore(%run_scoped3A_88 : memref<!tpu.dma_semaphore, #tpu.memory_space<semaphore_mem>>) src(%dma_wait3A_104 : memref<40x128xi32, #tpu.memory_space<hbm>>) dst(%arg7 : memref<40x128xi32, #tpu.memory_space<vmem>>)
      tpu.yield
    }) : () -> ()
    %dma_start3A = arith.constant 0 : i32
    %dma_start3A_18 = arith.constant 0 : i32
    %dma_start3A_19 = tpu.memref_slice %arg6[%dma_start3A, %dma_start3A_18] : memref<40x128xi32, #tpu.memory_space<vmem>> -> memref<1x128xi32, #tpu.memory_space<vmem>>
    %dma_start3A_20 = tpu.memref_squeeze %dma_start3A_19 : memref<1x128xi32, #tpu.memory_space<vmem>> -> memref<128xi32, #tpu.memory_space<vmem>>
    %dma_start3A_21 = arith.constant 0 : i32
    %dma_start3A_22 = arith.constant 0 : i32
    %dma_start3A_23 = tpu.memref_slice %arg2[%dma_start3A_21, %dma_start3A_22] : memref<10240x128xf32, #tpu.memory_space<hbm>> -> memref<10240x128xf32, #tpu.memory_space<hbm>>
    tpu.enqueue_indirect_dma source(%dma_start3A_23 : memref<10240x128xf32, #tpu.memory_space<hbm>>) target(%arg8 : memref<128x128xf32, #tpu.memory_space<vmem>>) offsets(%dma_start3A_20 : memref<128xi32, #tpu.memory_space<vmem>>) semaphore(%arg11 : memref<!tpu.dma_semaphore, #tpu.memory_space<semaphore_mem>>)
    %scan3A_24 = arith.constant 0 : i32
    %scan3A_25 = arith.constant 0 : i32
    %scan3A_26 = arith.constant 19 : i32
    %scan3A_27 = arith.addi %scan3A_25, %scan3A_26 : i32
    %scan3A_28 = arith.constant 1 : i32
    scf.for %scan3A_88 = %scan3A_25 to %scan3A_27 step %scan3A_28  : i32 {
      %mul3A_89 = arith.constant 2 : i32
      %mul3A_90 = arith.muli %mul3A_89, %scan3A_88 : i32
      %dma_wait3A_91 = arith.constant 0 : i32
      %dma_wait3A_92 = tpu.memref_slice %arg6[%mul3A_90, %dma_wait3A_91] : memref<40x128xi32, #tpu.memory_space<vmem>> -> memref<1x128xi32, #tpu.memory_space<vmem>>
      %dma_wait3A_93 = tpu.memref_squeeze %dma_wait3A_92 : memref<1x128xi32, #tpu.memory_space<vmem>> -> memref<128xi32, #tpu.memory_space<vmem>>
      %dma_wait3A_94 = arith.constant 0 : i32
      %dma_wait3A_95 = arith.constant 0 : i32
      %dma_wait3A_96 = tpu.memref_slice %arg2[%dma_wait3A_94, %dma_wait3A_95] : memref<10240x128xf32, #tpu.memory_space<hbm>> -> memref<10240x128xf32, #tpu.memory_space<hbm>>
      tpu.wait_indirect_dma semaphore(%arg11 : memref<!tpu.dma_semaphore, #tpu.memory_space<semaphore_mem>>) src(%dma_wait3A_96 : memref<10240x128xf32, #tpu.memory_space<hbm>>) dst(%arg8 : memref<128x128xf32, #tpu.memory_space<vmem>>)
      %add3A_97 = arith.constant 1 : i32
      %add3A_98 = arith.addi %mul3A_90, %add3A_97 : i32
      %dma_start3A_99 = arith.constant 0 : i32
      %dma_start3A_100 = tpu.memref_slice %arg6[%add3A_98, %dma_start3A_99] : memref<40x128xi32, #tpu.memory_space<vmem>> -> memref<1x128xi32, #tpu.memory_space<vmem>>
      %dma_start3A_101 = tpu.memref_squeeze %dma_start3A_100 : memref<1x128xi32, #tpu.memory_space<vmem>> -> memref<128xi32, #tpu.memory_space<vmem>>
      %dma_start3A_102 = arith.constant 0 : i32
      %dma_start3A_103 = arith.constant 0 : i32
      %dma_start3A_104 = tpu.memref_slice %arg2[%dma_start3A_102, %dma_start3A_103] : memref<10240x128xf32, #tpu.memory_space<hbm>> -> memref<10240x128xf32, #tpu.memory_space<hbm>>
      tpu.enqueue_indirect_dma source(%dma_start3A_104 : memref<10240x128xf32, #tpu.memory_space<hbm>>) target(%arg9 : memref<128x128xf32, #tpu.memory_space<vmem>>) offsets(%dma_start3A_101 : memref<128xi32, #tpu.memory_space<vmem>>) semaphore(%arg12 : memref<!tpu.dma_semaphore, #tpu.memory_space<semaphore_mem>>)
      "tpu.region"() ({
        %run_scoped3A_123 = tpu.sem_alloc : memref<!tpu.dma_semaphore, #tpu.memory_space<semaphore_mem>>
        %dma_start3A_124 = arith.constant 0 : i32
        %dma_start3A_125 = tpu.memref_slice %arg7[%mul3A_90, %dma_start3A_124] : memref<40x128xi32, #tpu.memory_space<vmem>> -> memref<1x128xi32, #tpu.memory_space<vmem>>
        %dma_start3A_126 = tpu.memref_squeeze %dma_start3A_125 : memref<1x128xi32, #tpu.memory_space<vmem>> -> memref<128xi32, #tpu.memory_space<vmem>>
        %dma_start3A_127 = arith.constant 0 : i32
        %dma_start3A_128 = arith.constant 0 : i32
        %dma_start3A_129 = tpu.memref_slice %arg10[%dma_start3A_127, %dma_start3A_128] : memref<10240x128xf32, #tpu.memory_space<vmem_shared>> -> memref<10240x128xf32, #tpu.memory_space<vmem_shared>>
        tpu.enqueue_indirect_dma source(%arg8 : memref<128x128xf32, #tpu.memory_space<vmem>>) target(%dma_start3A_129 : memref<10240x128xf32, #tpu.memory_space<vmem_shared>>) offsets(%dma_start3A_126 : memref<128xi32, #tpu.memory_space<vmem>>) semaphore(%run_scoped3A_123 : memref<!tpu.dma_semaphore, #tpu.memory_space<semaphore_mem>>) {add = true}
        %dma_wait3A_130 = arith.constant 0 : i32
        %dma_wait3A_131 = tpu.memref_slice %arg7[%mul3A_90, %dma_wait3A_130] : memref<40x128xi32, #tpu.memory_space<vmem>> -> memref<1x128xi32, #tpu.memory_space<vmem>>
        %dma_wait3A_132 = tpu.memref_squeeze %dma_wait3A_131 : memref<1x128xi32, #tpu.memory_space<vmem>> -> memref<128xi32, #tpu.memory_space<vmem>>
        %dma_wait3A_133 = arith.constant 0 : i32
        %dma_wait3A_134 = arith.constant 0 : i32
        %dma_wait3A_135 = tpu.memref_slice %arg10[%dma_wait3A_133, %dma_wait3A_134] : memref<10240x128xf32, #tpu.memory_space<vmem_shared>> -> memref<10240x128xf32, #tpu.memory_space<vmem_shared>>
        tpu.wait_indirect_dma semaphore(%run_scoped3A_123 : memref<!tpu.dma_semaphore, #tpu.memory_space<semaphore_mem>>) src(%arg8 : memref<128x128xf32, #tpu.memory_space<vmem>>) dst(%dma_wait3A_135 : memref<10240x128xf32, #tpu.memory_space<vmem_shared>>)
        tpu.yield
      }) : () -> ()
      %add3A_105 = arith.constant 1 : i32
      %add3A_106 = arith.addi %mul3A_90, %add3A_105 : i32
      %dma_wait3A_107 = arith.constant 0 : i32
      %dma_wait3A_108 = tpu.memref_slice %arg6[%add3A_106, %dma_wait3A_107] : memref<40x128xi32, #tpu.memory_space<vmem>> -> memref<1x128xi32, #tpu.memory_space<vmem>>
      %dma_wait3A_109 = tpu.memref_squeeze %dma_wait3A_108 : memref<1x128xi32, #tpu.memory_space<vmem>> -> memref<128xi32, #tpu.memory_space<vmem>>
      %dma_wait3A_110 = arith.constant 0 : i32
      %dma_wait3A_111 = arith.constant 0 : i32
      %dma_wait3A_112 = tpu.memref_slice %arg2[%dma_wait3A_110, %dma_wait3A_111] : memref<10240x128xf32, #tpu.memory_space<hbm>> -> memref<10240x128xf32, #tpu.memory_space<hbm>>
      tpu.wait_indirect_dma semaphore(%arg12 : memref<!tpu.dma_semaphore, #tpu.memory_space<semaphore_mem>>) src(%dma_wait3A_112 : memref<10240x128xf32, #tpu.memory_space<hbm>>) dst(%arg9 : memref<128x128xf32, #tpu.memory_space<vmem>>)
      %add3A_113 = arith.constant 2 : i32
      %add3A_114 = arith.addi %mul3A_90, %add3A_113 : i32
      %dma_start3A_115 = arith.constant 0 : i32
      %dma_start3A_116 = tpu.memref_slice %arg6[%add3A_114, %dma_start3A_115] : memref<40x128xi32, #tpu.memory_space<vmem>> -> memref<1x128xi32, #tpu.memory_space<vmem>>
      %dma_start3A_117 = tpu.memref_squeeze %dma_start3A_116 : memref<1x128xi32, #tpu.memory_space<vmem>> -> memref<128xi32, #tpu.memory_space<vmem>>
      %dma_start3A_118 = arith.constant 0 : i32
      %dma_start3A_119 = arith.constant 0 : i32
      %dma_start3A_120 = tpu.memref_slice %arg2[%dma_start3A_118, %dma_start3A_119] : memref<10240x128xf32, #tpu.memory_space<hbm>> -> memref<10240x128xf32, #tpu.memory_space<hbm>>
      tpu.enqueue_indirect_dma source(%dma_start3A_120 : memref<10240x128xf32, #tpu.memory_space<hbm>>) target(%arg8 : memref<128x128xf32, #tpu.memory_space<vmem>>) offsets(%dma_start3A_117 : memref<128xi32, #tpu.memory_space<vmem>>) semaphore(%arg11 : memref<!tpu.dma_semaphore, #tpu.memory_space<semaphore_mem>>)
      %add3A_121 = arith.constant 1 : i32
      %add3A_122 = arith.addi %mul3A_90, %add3A_121 : i32
      "tpu.region"() ({
        %run_scoped3A_123 = tpu.sem_alloc : memref<!tpu.dma_semaphore, #tpu.memory_space<semaphore_mem>>
        %dma_start3A_124 = arith.constant 0 : i32
        %dma_start3A_125 = tpu.memref_slice %arg7[%add3A_122, %dma_start3A_124] : memref<40x128xi32, #tpu.memory_space<vmem>> -> memref<1x128xi32, #tpu.memory_space<vmem>>
        %dma_start3A_126 = tpu.memref_squeeze %dma_start3A_125 : memref<1x128xi32, #tpu.memory_space<vmem>> -> memref<128xi32, #tpu.memory_space<vmem>>
        %dma_start3A_127 = arith.constant 0 : i32
        %dma_start3A_128 = arith.constant 0 : i32
        %dma_start3A_129 = tpu.memref_slice %arg10[%dma_start3A_127, %dma_start3A_128] : memref<10240x128xf32, #tpu.memory_space<vmem_shared>> -> memref<10240x128xf32, #tpu.memory_space<vmem_shared>>
        tpu.enqueue_indirect_dma source(%arg9 : memref<128x128xf32, #tpu.memory_space<vmem>>) target(%dma_start3A_129 : memref<10240x128xf32, #tpu.memory_space<vmem_shared>>) offsets(%dma_start3A_126 : memref<128xi32, #tpu.memory_space<vmem>>) semaphore(%run_scoped3A_123 : memref<!tpu.dma_semaphore, #tpu.memory_space<semaphore_mem>>) {add = true}
        %dma_wait3A_130 = arith.constant 0 : i32
        %dma_wait3A_131 = tpu.memref_slice %arg7[%add3A_122, %dma_wait3A_130] : memref<40x128xi32, #tpu.memory_space<vmem>> -> memref<1x128xi32, #tpu.memory_space<vmem>>
        %dma_wait3A_132 = tpu.memref_squeeze %dma_wait3A_131 : memref<1x128xi32, #tpu.memory_space<vmem>> -> memref<128xi32, #tpu.memory_space<vmem>>
        %dma_wait3A_133 = arith.constant 0 : i32
        %dma_wait3A_134 = arith.constant 0 : i32
        %dma_wait3A_135 = tpu.memref_slice %arg10[%dma_wait3A_133, %dma_wait3A_134] : memref<10240x128xf32, #tpu.memory_space<vmem_shared>> -> memref<10240x128xf32, #tpu.memory_space<vmem_shared>>
        tpu.wait_indirect_dma semaphore(%run_scoped3A_123 : memref<!tpu.dma_semaphore, #tpu.memory_space<semaphore_mem>>) src(%arg9 : memref<128x128xf32, #tpu.memory_space<vmem>>) dst(%dma_wait3A_135 : memref<10240x128xf32, #tpu.memory_space<vmem_shared>>)
        tpu.yield
      }) : () -> ()
    }
    %scan3A_29 = arith.constant 19 : i32
    %dma_wait3A = arith.constant 38 : i32
    %dma_wait3A_30 = arith.constant 0 : i32
    %dma_wait3A_31 = tpu.memref_slice %arg6[%dma_wait3A, %dma_wait3A_30] : memref<40x128xi32, #tpu.memory_space<vmem>> -> memref<1x128xi32, #tpu.memory_space<vmem>>
    %dma_wait3A_32 = tpu.memref_squeeze %dma_wait3A_31 : memref<1x128xi32, #tpu.memory_space<vmem>> -> memref<128xi32, #tpu.memory_space<vmem>>
    %dma_wait3A_33 = arith.constant 0 : i32
    %dma_wait3A_34 = arith.constant 0 : i32
    %dma_wait3A_35 = tpu.memref_slice %arg2[%dma_wait3A_33, %dma_wait3A_34] : memref<10240x128xf32, #tpu.memory_space<hbm>> -> memref<10240x128xf32, #tpu.memory_space<hbm>>
    tpu.wait_indirect_dma semaphore(%arg11 : memref<!tpu.dma_semaphore, #tpu.memory_space<semaphore_mem>>) src(%dma_wait3A_35 : memref<10240x128xf32, #tpu.memory_space<hbm>>) dst(%arg8 : memref<128x128xf32, #tpu.memory_space<vmem>>)
    %dma_start3A_36 = arith.constant 39 : i32
    %dma_start3A_37 = arith.constant 0 : i32
    %dma_start3A_38 = tpu.memref_slice %arg6[%dma_start3A_36, %dma_start3A_37] : memref<40x128xi32, #tpu.memory_space<vmem>> -> memref<1x128xi32, #tpu.memory_space<vmem>>
    %dma_start3A_39 = tpu.memref_squeeze %dma_start3A_38 : memref<1x128xi32, #tpu.memory_space<vmem>> -> memref<128xi32, #tpu.memory_space<vmem>>
    %dma_start3A_40 = arith.constant 0 : i32
    %dma_start3A_41 = arith.constant 0 : i32
    %dma_start3A_42 = tpu.memref_slice %arg2[%dma_start3A_40, %dma_start3A_41] : memref<10240x128xf32, #tpu.memory_space<hbm>> -> memref<10240x128xf32, #tpu.memory_space<hbm>>
    tpu.enqueue_indirect_dma source(%dma_start3A_42 : memref<10240x128xf32, #tpu.memory_space<hbm>>) target(%arg9 : memref<128x128xf32, #tpu.memory_space<vmem>>) offsets(%dma_start3A_39 : memref<128xi32, #tpu.memory_space<vmem>>) semaphore(%arg12 : memref<!tpu.dma_semaphore, #tpu.memory_space<semaphore_mem>>)
    %run_scoped3A = arith.constant 38 : i32
    "tpu.region"() ({
      %run_scoped3A_88 = tpu.sem_alloc : memref<!tpu.dma_semaphore, #tpu.memory_space<semaphore_mem>>
      %dma_start3A_89 = arith.constant 0 : i32
      %dma_start3A_90 = tpu.memref_slice %arg7[%run_scoped3A, %dma_start3A_89] : memref<40x128xi32, #tpu.memory_space<vmem>> -> memref<1x128xi32, #tpu.memory_space<vmem>>
      %dma_start3A_91 = tpu.memref_squeeze %dma_start3A_90 : memref<1x128xi32, #tpu.memory_space<vmem>> -> memref<128xi32, #tpu.memory_space<vmem>>
      %dma_start3A_92 = arith.constant 0 : i32
      %dma_start3A_93 = arith.constant 0 : i32
      %dma_start3A_94 = tpu.memref_slice %arg10[%dma_start3A_92, %dma_start3A_93] : memref<10240x128xf32, #tpu.memory_space<vmem_shared>> -> memref<10240x128xf32, #tpu.memory_space<vmem_shared>>
      tpu.enqueue_indirect_dma source(%arg8 : memref<128x128xf32, #tpu.memory_space<vmem>>) target(%dma_start3A_94 : memref<10240x128xf32, #tpu.memory_space<vmem_shared>>) offsets(%dma_start3A_91 : memref<128xi32, #tpu.memory_space<vmem>>) semaphore(%run_scoped3A_88 : memref<!tpu.dma_semaphore, #tpu.memory_space<semaphore_mem>>) {add = true}
      %dma_wait3A_95 = arith.constant 0 : i32
      %dma_wait3A_96 = tpu.memref_slice %arg7[%run_scoped3A, %dma_wait3A_95] : memref<40x128xi32, #tpu.memory_space<vmem>> -> memref<1x128xi32, #tpu.memory_space<vmem>>
      %dma_wait3A_97 = tpu.memref_squeeze %dma_wait3A_96 : memref<1x128xi32, #tpu.memory_space<vmem>> -> memref<128xi32, #tpu.memory_space<vmem>>
      %dma_wait3A_98 = arith.constant 0 : i32
      %dma_wait3A_99 = arith.constant 0 : i32
      %dma_wait3A_100 = tpu.memref_slice %arg10[%dma_wait3A_98, %dma_wait3A_99] : memref<10240x128xf32, #tpu.memory_space<vmem_shared>> -> memref<10240x128xf32, #tpu.memory_space<vmem_shared>>
      tpu.wait_indirect_dma semaphore(%run_scoped3A_88 : memref<!tpu.dma_semaphore, #tpu.memory_space<semaphore_mem>>) src(%arg8 : memref<128x128xf32, #tpu.memory_space<vmem>>) dst(%dma_wait3A_100 : memref<10240x128xf32, #tpu.memory_space<vmem_shared>>)
      tpu.yield
    }) : () -> ()
    %dma_wait3A_43 = arith.constant 39 : i32
    %dma_wait3A_44 = arith.constant 0 : i32
    %dma_wait3A_45 = tpu.memref_slice %arg6[%dma_wait3A_43, %dma_wait3A_44] : memref<40x128xi32, #tpu.memory_space<vmem>> -> memref<1x128xi32, #tpu.memory_space<vmem>>
    %dma_wait3A_46 = tpu.memref_squeeze %dma_wait3A_45 : memref<1x128xi32, #tpu.memory_space<vmem>> -> memref<128xi32, #tpu.memory_space<vmem>>
    %dma_wait3A_47 = arith.constant 0 : i32
    %dma_wait3A_48 = arith.constant 0 : i32
    %dma_wait3A_49 = tpu.memref_slice %arg2[%dma_wait3A_47, %dma_wait3A_48] : memref<10240x128xf32, #tpu.memory_space<hbm>> -> memref<10240x128xf32, #tpu.memory_space<hbm>>
    tpu.wait_indirect_dma semaphore(%arg12 : memref<!tpu.dma_semaphore, #tpu.memory_space<semaphore_mem>>) src(%dma_wait3A_49 : memref<10240x128xf32, #tpu.memory_space<hbm>>) dst(%arg9 : memref<128x128xf32, #tpu.memory_space<vmem>>)
    %run_scoped3A_50 = arith.constant 39 : i32
    "tpu.region"() ({
      %run_scoped3A_88 = tpu.sem_alloc : memref<!tpu.dma_semaphore, #tpu.memory_space<semaphore_mem>>
      %dma_start3A_89 = arith.constant 0 : i32
      %dma_start3A_90 = tpu.memref_slice %arg7[%run_scoped3A_50, %dma_start3A_89] : memref<40x128xi32, #tpu.memory_space<vmem>> -> memref<1x128xi32, #tpu.memory_space<vmem>>
      %dma_start3A_91 = tpu.memref_squeeze %dma_start3A_90 : memref<1x128xi32, #tpu.memory_space<vmem>> -> memref<128xi32, #tpu.memory_space<vmem>>
      %dma_start3A_92 = arith.constant 0 : i32
      %dma_start3A_93 = arith.constant 0 : i32
      %dma_start3A_94 = tpu.memref_slice %arg10[%dma_start3A_92, %dma_start3A_93] : memref<10240x128xf32, #tpu.memory_space<vmem_shared>> -> memref<10240x128xf32, #tpu.memory_space<vmem_shared>>
      tpu.enqueue_indirect_dma source(%arg9 : memref<128x128xf32, #tpu.memory_space<vmem>>) target(%dma_start3A_94 : memref<10240x128xf32, #tpu.memory_space<vmem_shared>>) offsets(%dma_start3A_91 : memref<128xi32, #tpu.memory_space<vmem>>) semaphore(%run_scoped3A_88 : memref<!tpu.dma_semaphore, #tpu.memory_space<semaphore_mem>>) {add = true}
      %dma_wait3A_95 = arith.constant 0 : i32
      %dma_wait3A_96 = tpu.memref_slice %arg7[%run_scoped3A_50, %dma_wait3A_95] : memref<40x128xi32, #tpu.memory_space<vmem>> -> memref<1x128xi32, #tpu.memory_space<vmem>>
      %dma_wait3A_97 = tpu.memref_squeeze %dma_wait3A_96 : memref<1x128xi32, #tpu.memory_space<vmem>> -> memref<128xi32, #tpu.memory_space<vmem>>
      %dma_wait3A_98 = arith.constant 0 : i32
      %dma_wait3A_99 = arith.constant 0 : i32
      %dma_wait3A_100 = tpu.memref_slice %arg10[%dma_wait3A_98, %dma_wait3A_99] : memref<10240x128xf32, #tpu.memory_space<vmem_shared>> -> memref<10240x128xf32, #tpu.memory_space<vmem_shared>>
      tpu.wait_indirect_dma semaphore(%run_scoped3A_88 : memref<!tpu.dma_semaphore, #tpu.memory_space<semaphore_mem>>) src(%arg9 : memref<128x128xf32, #tpu.memory_space<vmem>>) dst(%dma_wait3A_100 : memref<10240x128xf32, #tpu.memory_space<vmem_shared>>)
      tpu.yield
    }) : () -> ()
    "tpu.region"() ({
      %run_scoped3A_88 = tpu.sem_alloc : memref<!tpu.dma_semaphore, #tpu.memory_space<semaphore_mem>>
      %dma_start3A_89 = arith.constant 40 : i32
      %dma_start3A_90 = arith.constant 0 : i32
      %dma_start3A_91 = tpu.memref_slice %arg3[%add3A, %dma_start3A_89, %dma_start3A_90] : memref<32x80x128xi32, #tpu.memory_space<hbm>> -> memref<1x40x128xi32, #tpu.memory_space<hbm>>
      %dma_start3A_92 = tpu.memref_squeeze %dma_start3A_91 : memref<1x40x128xi32, #tpu.memory_space<hbm>> -> memref<40x128xi32, #tpu.memory_space<hbm>>
      %dma_start3A_93 = arith.constant 40 : i32
      %dma_start3A_94 = arith.constant 0 : i32
      %dma_start3A_95 = tpu.memref_slice %arg3[%add3A, %dma_start3A_93, %dma_start3A_94] : memref<32x80x128xi32, #tpu.memory_space<hbm>> -> memref<1x40x128xi32, #tpu.memory_space<hbm>>
      %dma_start3A_96 = tpu.memref_squeeze %dma_start3A_95 : memref<1x40x128xi32, #tpu.memory_space<hbm>> -> memref<40x128xi32, #tpu.memory_space<hbm>>
      tpu.enqueue_dma source(%dma_start3A_96 : memref<40x128xi32, #tpu.memory_space<hbm>>) target(%arg6 : memref<40x128xi32, #tpu.memory_space<vmem>>) target_semaphore(%run_scoped3A_88 : memref<!tpu.dma_semaphore, #tpu.memory_space<semaphore_mem>>)
      %dma_wait3A_97 = arith.constant 40 : i32
      %dma_wait3A_98 = arith.constant 0 : i32
      %dma_wait3A_99 = tpu.memref_slice %arg3[%add3A, %dma_wait3A_97, %dma_wait3A_98] : memref<32x80x128xi32, #tpu.memory_space<hbm>> -> memref<1x40x128xi32, #tpu.memory_space<hbm>>
      %dma_wait3A_100 = tpu.memref_squeeze %dma_wait3A_99 : memref<1x40x128xi32, #tpu.memory_space<hbm>> -> memref<40x128xi32, #tpu.memory_space<hbm>>
      %dma_wait3A_101 = arith.constant 40 : i32
      %dma_wait3A_102 = arith.constant 0 : i32
      %dma_wait3A_103 = tpu.memref_slice %arg3[%add3A, %dma_wait3A_101, %dma_wait3A_102] : memref<32x80x128xi32, #tpu.memory_space<hbm>> -> memref<1x40x128xi32, #tpu.memory_space<hbm>>
      %dma_wait3A_104 = tpu.memref_squeeze %dma_wait3A_103 : memref<1x40x128xi32, #tpu.memory_space<hbm>> -> memref<40x128xi32, #tpu.memory_space<hbm>>
      tpu.wait_dma2 semaphore(%run_scoped3A_88 : memref<!tpu.dma_semaphore, #tpu.memory_space<semaphore_mem>>) src(%dma_wait3A_104 : memref<40x128xi32, #tpu.memory_space<hbm>>) dst(%arg6 : memref<40x128xi32, #tpu.memory_space<vmem>>)
      tpu.yield
    }) : () -> ()
    "tpu.region"() ({
      %run_scoped3A_88 = tpu.sem_alloc : memref<!tpu.dma_semaphore, #tpu.memory_space<semaphore_mem>>
      %dma_start3A_89 = arith.constant 40 : i32
      %dma_start3A_90 = arith.constant 0 : i32
      %dma_start3A_91 = tpu.memref_slice %arg4[%add3A, %dma_start3A_89, %dma_start3A_90] : memref<32x80x128xi32, #tpu.memory_space<hbm>> -> memref<1x40x128xi32, #tpu.memory_space<hbm>>
      %dma_start3A_92 = tpu.memref_squeeze %dma_start3A_91 : memref<1x40x128xi32, #tpu.memory_space<hbm>> -> memref<40x128xi32, #tpu.memory_space<hbm>>
      %dma_start3A_93 = arith.constant 40 : i32
      %dma_start3A_94 = arith.constant 0 : i32
      %dma_start3A_95 = tpu.memref_slice %arg4[%add3A, %dma_start3A_93, %dma_start3A_94] : memref<32x80x128xi32, #tpu.memory_space<hbm>> -> memref<1x40x128xi32, #tpu.memory_space<hbm>>
      %dma_start3A_96 = tpu.memref_squeeze %dma_start3A_95 : memref<1x40x128xi32, #tpu.memory_space<hbm>> -> memref<40x128xi32, #tpu.memory_space<hbm>>
      tpu.enqueue_dma source(%dma_start3A_96 : memref<40x128xi32, #tpu.memory_space<hbm>>) target(%arg7 : memref<40x128xi32, #tpu.memory_space<vmem>>) target_semaphore(%run_scoped3A_88 : memref<!tpu.dma_semaphore, #tpu.memory_space<semaphore_mem>>)
      %dma_wait3A_97 = arith.constant 40 : i32
      %dma_wait3A_98 = arith.constant 0 : i32
      %dma_wait3A_99 = tpu.memref_slice %arg4[%add3A, %dma_wait3A_97, %dma_wait3A_98] : memref<32x80x128xi32, #tpu.memory_space<hbm>> -> memref<1x40x128xi32, #tpu.memory_space<hbm>>
      %dma_wait3A_100 = tpu.memref_squeeze %dma_wait3A_99 : memref<1x40x128xi32, #tpu.memory_space<hbm>> -> memref<40x128xi32, #tpu.memory_space<hbm>>
      %dma_wait3A_101 = arith.constant 40 : i32
      %dma_wait3A_102 = arith.constant 0 : i32
      %dma_wait3A_103 = tpu.memref_slice %arg4[%add3A, %dma_wait3A_101, %dma_wait3A_102] : memref<32x80x128xi32, #tpu.memory_space<hbm>> -> memref<1x40x128xi32, #tpu.memory_space<hbm>>
      %dma_wait3A_104 = tpu.memref_squeeze %dma_wait3A_103 : memref<1x40x128xi32, #tpu.memory_space<hbm>> -> memref<40x128xi32, #tpu.memory_space<hbm>>
      tpu.wait_dma2 semaphore(%run_scoped3A_88 : memref<!tpu.dma_semaphore, #tpu.memory_space<semaphore_mem>>) src(%dma_wait3A_104 : memref<40x128xi32, #tpu.memory_space<hbm>>) dst(%arg7 : memref<40x128xi32, #tpu.memory_space<vmem>>)
      tpu.yield
    }) : () -> ()
    %dma_start3A_51 = arith.constant 0 : i32
    %dma_start3A_52 = arith.constant 0 : i32
    %dma_start3A_53 = tpu.memref_slice %arg6[%dma_start3A_51, %dma_start3A_52] : memref<40x128xi32, #tpu.memory_space<vmem>> -> memref<1x128xi32, #tpu.memory_space<vmem>>
    %dma_start3A_54 = tpu.memref_squeeze %dma_start3A_53 : memref<1x128xi32, #tpu.memory_space<vmem>> -> memref<128xi32, #tpu.memory_space<vmem>>
    %dma_start3A_55 = arith.constant 0 : i32
    %dma_start3A_56 = arith.constant 0 : i32
    %dma_start3A_57 = tpu.memref_slice %arg2[%dma_start3A_55, %dma_start3A_56] : memref<10240x128xf32, #tpu.memory_space<hbm>> -> memref<10240x128xf32, #tpu.memory_space<hbm>>
    tpu.enqueue_indirect_dma source(%dma_start3A_57 : memref<10240x128xf32, #tpu.memory_space<hbm>>) target(%arg8 : memref<128x128xf32, #tpu.memory_space<vmem>>) offsets(%dma_start3A_54 : memref<128xi32, #tpu.memory_space<vmem>>) semaphore(%arg11 : memref<!tpu.dma_semaphore, #tpu.memory_space<semaphore_mem>>)
    %scan3A_58 = arith.constant 0 : i32
    %scan3A_59 = arith.constant 0 : i32
    %scan3A_60 = arith.constant 19 : i32
    %scan3A_61 = arith.addi %scan3A_59, %scan3A_60 : i32
    %scan3A_62 = arith.constant 1 : i32
    scf.for %scan3A_88 = %scan3A_59 to %scan3A_61 step %scan3A_62  : i32 {
      %mul3A_89 = arith.constant 2 : i32
      %mul3A_90 = arith.muli %mul3A_89, %scan3A_88 : i32
      %dma_wait3A_91 = arith.constant 0 : i32
      %dma_wait3A_92 = tpu.memref_slice %arg6[%mul3A_90, %dma_wait3A_91] : memref<40x128xi32, #tpu.memory_space<vmem>> -> memref<1x128xi32, #tpu.memory_space<vmem>>
      %dma_wait3A_93 = tpu.memref_squeeze %dma_wait3A_92 : memref<1x128xi32, #tpu.memory_space<vmem>> -> memref<128xi32, #tpu.memory_space<vmem>>
      %dma_wait3A_94 = arith.constant 0 : i32
      %dma_wait3A_95 = arith.constant 0 : i32
      %dma_wait3A_96 = tpu.memref_slice %arg2[%dma_wait3A_94, %dma_wait3A_95] : memref<10240x128xf32, #tpu.memory_space<hbm>> -> memref<10240x128xf32, #tpu.memory_space<hbm>>
      tpu.wait_indirect_dma semaphore(%arg11 : memref<!tpu.dma_semaphore, #tpu.memory_space<semaphore_mem>>) src(%dma_wait3A_96 : memref<10240x128xf32, #tpu.memory_space<hbm>>) dst(%arg8 : memref<128x128xf32, #tpu.memory_space<vmem>>)
      %add3A_97 = arith.constant 1 : i32
      %add3A_98 = arith.addi %mul3A_90, %add3A_97 : i32
      %dma_start3A_99 = arith.constant 0 : i32
      %dma_start3A_100 = tpu.memref_slice %arg6[%add3A_98, %dma_start3A_99] : memref<40x128xi32, #tpu.memory_space<vmem>> -> memref<1x128xi32, #tpu.memory_space<vmem>>
      %dma_start3A_101 = tpu.memref_squeeze %dma_start3A_100 : memref<1x128xi32, #tpu.memory_space<vmem>> -> memref<128xi32, #tpu.memory_space<vmem>>
      %dma_start3A_102 = arith.constant 0 : i32
      %dma_start3A_103 = arith.constant 0 : i32
      %dma_start3A_104 = tpu.memref_slice %arg2[%dma_start3A_102, %dma_start3A_103] : memref<10240x128xf32, #tpu.memory_space<hbm>> -> memref<10240x128xf32, #tpu.memory_space<hbm>>
      tpu.enqueue_indirect_dma source(%dma_start3A_104 : memref<10240x128xf32, #tpu.memory_space<hbm>>) target(%arg9 : memref<128x128xf32, #tpu.memory_space<vmem>>) offsets(%dma_start3A_101 : memref<128xi32, #tpu.memory_space<vmem>>) semaphore(%arg12 : memref<!tpu.dma_semaphore, #tpu.memory_space<semaphore_mem>>)
      "tpu.region"() ({
        %run_scoped3A_123 = tpu.sem_alloc : memref<!tpu.dma_semaphore, #tpu.memory_space<semaphore_mem>>
        %dma_start3A_124 = arith.constant 0 : i32
        %dma_start3A_125 = tpu.memref_slice %arg7[%mul3A_90, %dma_start3A_124] : memref<40x128xi32, #tpu.memory_space<vmem>> -> memref<1x128xi32, #tpu.memory_space<vmem>>
        %dma_start3A_126 = tpu.memref_squeeze %dma_start3A_125 : memref<1x128xi32, #tpu.memory_space<vmem>> -> memref<128xi32, #tpu.memory_space<vmem>>
        %dma_start3A_127 = arith.constant 0 : i32
        %dma_start3A_128 = arith.constant 0 : i32
        %dma_start3A_129 = tpu.memref_slice %arg10[%dma_start3A_127, %dma_start3A_128] : memref<10240x128xf32, #tpu.memory_space<vmem_shared>> -> memref<10240x128xf32, #tpu.memory_space<vmem_shared>>
        tpu.enqueue_indirect_dma source(%arg8 : memref<128x128xf32, #tpu.memory_space<vmem>>) target(%dma_start3A_129 : memref<10240x128xf32, #tpu.memory_space<vmem_shared>>) offsets(%dma_start3A_126 : memref<128xi32, #tpu.memory_space<vmem>>) semaphore(%run_scoped3A_123 : memref<!tpu.dma_semaphore, #tpu.memory_space<semaphore_mem>>) {add = true}
        %dma_wait3A_130 = arith.constant 0 : i32
        %dma_wait3A_131 = tpu.memref_slice %arg7[%mul3A_90, %dma_wait3A_130] : memref<40x128xi32, #tpu.memory_space<vmem>> -> memref<1x128xi32, #tpu.memory_space<vmem>>
        %dma_wait3A_132 = tpu.memref_squeeze %dma_wait3A_131 : memref<1x128xi32, #tpu.memory_space<vmem>> -> memref<128xi32, #tpu.memory_space<vmem>>
        %dma_wait3A_133 = arith.constant 0 : i32
        %dma_wait3A_134 = arith.constant 0 : i32
        %dma_wait3A_135 = tpu.memref_slice %arg10[%dma_wait3A_133, %dma_wait3A_134] : memref<10240x128xf32, #tpu.memory_space<vmem_shared>> -> memref<10240x128xf32, #tpu.memory_space<vmem_shared>>
        tpu.wait_indirect_dma semaphore(%run_scoped3A_123 : memref<!tpu.dma_semaphore, #tpu.memory_space<semaphore_mem>>) src(%arg8 : memref<128x128xf32, #tpu.memory_space<vmem>>) dst(%dma_wait3A_135 : memref<10240x128xf32, #tpu.memory_space<vmem_shared>>)
        tpu.yield
      }) : () -> ()
      %add3A_105 = arith.constant 1 : i32
      %add3A_106 = arith.addi %mul3A_90, %add3A_105 : i32
      %dma_wait3A_107 = arith.constant 0 : i32
      %dma_wait3A_108 = tpu.memref_slice %arg6[%add3A_106, %dma_wait3A_107] : memref<40x128xi32, #tpu.memory_space<vmem>> -> memref<1x128xi32, #tpu.memory_space<vmem>>
      %dma_wait3A_109 = tpu.memref_squeeze %dma_wait3A_108 : memref<1x128xi32, #tpu.memory_space<vmem>> -> memref<128xi32, #tpu.memory_space<vmem>>
      %dma_wait3A_110 = arith.constant 0 : i32
      %dma_wait3A_111 = arith.constant 0 : i32
      %dma_wait3A_112 = tpu.memref_slice %arg2[%dma_wait3A_110, %dma_wait3A_111] : memref<10240x128xf32, #tpu.memory_space<hbm>> -> memref<10240x128xf32, #tpu.memory_space<hbm>>
      tpu.wait_indirect_dma semaphore(%arg12 : memref<!tpu.dma_semaphore, #tpu.memory_space<semaphore_mem>>) src(%dma_wait3A_112 : memref<10240x128xf32, #tpu.memory_space<hbm>>) dst(%arg9 : memref<128x128xf32, #tpu.memory_space<vmem>>)
      %add3A_113 = arith.constant 2 : i32
      %add3A_114 = arith.addi %mul3A_90, %add3A_113 : i32
      %dma_start3A_115 = arith.constant 0 : i32
      %dma_start3A_116 = tpu.memref_slice %arg6[%add3A_114, %dma_start3A_115] : memref<40x128xi32, #tpu.memory_space<vmem>> -> memref<1x128xi32, #tpu.memory_space<vmem>>
      %dma_start3A_117 = tpu.memref_squeeze %dma_start3A_116 : memref<1x128xi32, #tpu.memory_space<vmem>> -> memref<128xi32, #tpu.memory_space<vmem>>
      %dma_start3A_118 = arith.constant 0 : i32
      %dma_start3A_119 = arith.constant 0 : i32
      %dma_start3A_120 = tpu.memref_slice %arg2[%dma_start3A_118, %dma_start3A_119] : memref<10240x128xf32, #tpu.memory_space<hbm>> -> memref<10240x128xf32, #tpu.memory_space<hbm>>
      tpu.enqueue_indirect_dma source(%dma_start3A_120 : memref<10240x128xf32, #tpu.memory_space<hbm>>) target(%arg8 : memref<128x128xf32, #tpu.memory_space<vmem>>) offsets(%dma_start3A_117 : memref<128xi32, #tpu.memory_space<vmem>>) semaphore(%arg11 : memref<!tpu.dma_semaphore, #tpu.memory_space<semaphore_mem>>)
      %add3A_121 = arith.constant 1 : i32
      %add3A_122 = arith.addi %mul3A_90, %add3A_121 : i32
      "tpu.region"() ({
        %run_scoped3A_123 = tpu.sem_alloc : memref<!tpu.dma_semaphore, #tpu.memory_space<semaphore_mem>>
        %dma_start3A_124 = arith.constant 0 : i32
        %dma_start3A_125 = tpu.memref_slice %arg7[%add3A_122, %dma_start3A_124] : memref<40x128xi32, #tpu.memory_space<vmem>> -> memref<1x128xi32, #tpu.memory_space<vmem>>
        %dma_start3A_126 = tpu.memref_squeeze %dma_start3A_125 : memref<1x128xi32, #tpu.memory_space<vmem>> -> memref<128xi32, #tpu.memory_space<vmem>>
        %dma_start3A_127 = arith.constant 0 : i32
        %dma_start3A_128 = arith.constant 0 : i32
        %dma_start3A_129 = tpu.memref_slice %arg10[%dma_start3A_127, %dma_start3A_128] : memref<10240x128xf32, #tpu.memory_space<vmem_shared>> -> memref<10240x128xf32, #tpu.memory_space<vmem_shared>>
        tpu.enqueue_indirect_dma source(%arg9 : memref<128x128xf32, #tpu.memory_space<vmem>>) target(%dma_start3A_129 : memref<10240x128xf32, #tpu.memory_space<vmem_shared>>) offsets(%dma_start3A_126 : memref<128xi32, #tpu.memory_space<vmem>>) semaphore(%run_scoped3A_123 : memref<!tpu.dma_semaphore, #tpu.memory_space<semaphore_mem>>) {add = true}
        %dma_wait3A_130 = arith.constant 0 : i32
        %dma_wait3A_131 = tpu.memref_slice %arg7[%add3A_122, %dma_wait3A_130] : memref<40x128xi32, #tpu.memory_space<vmem>> -> memref<1x128xi32, #tpu.memory_space<vmem>>
        %dma_wait3A_132 = tpu.memref_squeeze %dma_wait3A_131 : memref<1x128xi32, #tpu.memory_space<vmem>> -> memref<128xi32, #tpu.memory_space<vmem>>
        %dma_wait3A_133 = arith.constant 0 : i32
        %dma_wait3A_134 = arith.constant 0 : i32
        %dma_wait3A_135 = tpu.memref_slice %arg10[%dma_wait3A_133, %dma_wait3A_134] : memref<10240x128xf32, #tpu.memory_space<vmem_shared>> -> memref<10240x128xf32, #tpu.memory_space<vmem_shared>>
        tpu.wait_indirect_dma semaphore(%run_scoped3A_123 : memref<!tpu.dma_semaphore, #tpu.memory_space<semaphore_mem>>) src(%arg9 : memref<128x128xf32, #tpu.memory_space<vmem>>) dst(%dma_wait3A_135 : memref<10240x128xf32, #tpu.memory_space<vmem_shared>>)
        tpu.yield
      }) : () -> ()
    }
    %scan3A_63 = arith.constant 19 : i32
    %dma_wait3A_64 = arith.constant 38 : i32
    %dma_wait3A_65 = arith.constant 0 : i32
    %dma_wait3A_66 = tpu.memref_slice %arg6[%dma_wait3A_64, %dma_wait3A_65] : memref<40x128xi32, #tpu.memory_space<vmem>> -> memref<1x128xi32, #tpu.memory_space<vmem>>
    %dma_wait3A_67 = tpu.memref_squeeze %dma_wait3A_66 : memref<1x128xi32, #tpu.memory_space<vmem>> -> memref<128xi32, #tpu.memory_space<vmem>>
    %dma_wait3A_68 = arith.constant 0 : i32
    %dma_wait3A_69 = arith.constant 0 : i32
    %dma_wait3A_70 = tpu.memref_slice %arg2[%dma_wait3A_68, %dma_wait3A_69] : memref<10240x128xf32, #tpu.memory_space<hbm>> -> memref<10240x128xf32, #tpu.memory_space<hbm>>
    tpu.wait_indirect_dma semaphore(%arg11 : memref<!tpu.dma_semaphore, #tpu.memory_space<semaphore_mem>>) src(%dma_wait3A_70 : memref<10240x128xf32, #tpu.memory_space<hbm>>) dst(%arg8 : memref<128x128xf32, #tpu.memory_space<vmem>>)
    %dma_start3A_71 = arith.constant 39 : i32
    %dma_start3A_72 = arith.constant 0 : i32
    %dma_start3A_73 = tpu.memref_slice %arg6[%dma_start3A_71, %dma_start3A_72] : memref<40x128xi32, #tpu.memory_space<vmem>> -> memref<1x128xi32, #tpu.memory_space<vmem>>
    %dma_start3A_74 = tpu.memref_squeeze %dma_start3A_73 : memref<1x128xi32, #tpu.memory_space<vmem>> -> memref<128xi32, #tpu.memory_space<vmem>>
    %dma_start3A_75 = arith.constant 0 : i32
    %dma_start3A_76 = arith.constant 0 : i32
    %dma_start3A_77 = tpu.memref_slice %arg2[%dma_start3A_75, %dma_start3A_76] : memref<10240x128xf32, #tpu.memory_space<hbm>> -> memref<10240x128xf32, #tpu.memory_space<hbm>>
    tpu.enqueue_indirect_dma source(%dma_start3A_77 : memref<10240x128xf32, #tpu.memory_space<hbm>>) target(%arg9 : memref<128x128xf32, #tpu.memory_space<vmem>>) offsets(%dma_start3A_74 : memref<128xi32, #tpu.memory_space<vmem>>) semaphore(%arg12 : memref<!tpu.dma_semaphore, #tpu.memory_space<semaphore_mem>>)
    %run_scoped3A_78 = arith.constant 38 : i32
    "tpu.region"() ({
      %run_scoped3A_88 = tpu.sem_alloc : memref<!tpu.dma_semaphore, #tpu.memory_space<semaphore_mem>>
      %dma_start3A_89 = arith.constant 0 : i32
      %dma_start3A_90 = tpu.memref_slice %arg7[%run_scoped3A_78, %dma_start3A_89] : memref<40x128xi32, #tpu.memory_space<vmem>> -> memref<1x128xi32, #tpu.memory_space<vmem>>
      %dma_start3A_91 = tpu.memref_squeeze %dma_start3A_90 : memref<1x128xi32, #tpu.memory_space<vmem>> -> memref<128xi32, #tpu.memory_space<vmem>>
      %dma_start3A_92 = arith.constant 0 : i32
      %dma_start3A_93 = arith.constant 0 : i32
      %dma_start3A_94 = tpu.memref_slice %arg10[%dma_start3A_92, %dma_start3A_93] : memref<10240x128xf32, #tpu.memory_space<vmem_shared>> -> memref<10240x128xf32, #tpu.memory_space<vmem_shared>>
      tpu.enqueue_indirect_dma source(%arg8 : memref<128x128xf32, #tpu.memory_space<vmem>>) target(%dma_start3A_94 : memref<10240x128xf32, #tpu.memory_space<vmem_shared>>) offsets(%dma_start3A_91 : memref<128xi32, #tpu.memory_space<vmem>>) semaphore(%run_scoped3A_88 : memref<!tpu.dma_semaphore, #tpu.memory_space<semaphore_mem>>) {add = true}
      %dma_wait3A_95 = arith.constant 0 : i32
      %dma_wait3A_96 = tpu.memref_slice %arg7[%run_scoped3A_78, %dma_wait3A_95] : memref<40x128xi32, #tpu.memory_space<vmem>> -> memref<1x128xi32, #tpu.memory_space<vmem>>
      %dma_wait3A_97 = tpu.memref_squeeze %dma_wait3A_96 : memref<1x128xi32, #tpu.memory_space<vmem>> -> memref<128xi32, #tpu.memory_space<vmem>>
      %dma_wait3A_98 = arith.constant 0 : i32
      %dma_wait3A_99 = arith.constant 0 : i32
      %dma_wait3A_100 = tpu.memref_slice %arg10[%dma_wait3A_98, %dma_wait3A_99] : memref<10240x128xf32, #tpu.memory_space<vmem_shared>> -> memref<10240x128xf32, #tpu.memory_space<vmem_shared>>
      tpu.wait_indirect_dma semaphore(%run_scoped3A_88 : memref<!tpu.dma_semaphore, #tpu.memory_space<semaphore_mem>>) src(%arg8 : memref<128x128xf32, #tpu.memory_space<vmem>>) dst(%dma_wait3A_100 : memref<10240x128xf32, #tpu.memory_space<vmem_shared>>)
      tpu.yield
    }) : () -> ()
    %dma_wait3A_79 = arith.constant 39 : i32
    %dma_wait3A_80 = arith.constant 0 : i32
    %dma_wait3A_81 = tpu.memref_slice %arg6[%dma_wait3A_79, %dma_wait3A_80] : memref<40x128xi32, #tpu.memory_space<vmem>> -> memref<1x128xi32, #tpu.memory_space<vmem>>
    %dma_wait3A_82 = tpu.memref_squeeze %dma_wait3A_81 : memref<1x128xi32, #tpu.memory_space<vmem>> -> memref<128xi32, #tpu.memory_space<vmem>>
    %dma_wait3A_83 = arith.constant 0 : i32
    %dma_wait3A_84 = arith.constant 0 : i32
    %dma_wait3A_85 = tpu.memref_slice %arg2[%dma_wait3A_83, %dma_wait3A_84] : memref<10240x128xf32, #tpu.memory_space<hbm>> -> memref<10240x128xf32, #tpu.memory_space<hbm>>
    tpu.wait_indirect_dma semaphore(%arg12 : memref<!tpu.dma_semaphore, #tpu.memory_space<semaphore_mem>>) src(%dma_wait3A_85 : memref<10240x128xf32, #tpu.memory_space<hbm>>) dst(%arg9 : memref<128x128xf32, #tpu.memory_space<vmem>>)
    %run_scoped3A_86 = arith.constant 39 : i32
    "tpu.region"() ({
      %run_scoped3A_88 = tpu.sem_alloc : memref<!tpu.dma_semaphore, #tpu.memory_space<semaphore_mem>>
      %dma_start3A_89 = arith.constant 0 : i32
      %dma_start3A_90 = tpu.memref_slice %arg7[%run_scoped3A_86, %dma_start3A_89] : memref<40x128xi32, #tpu.memory_space<vmem>> -> memref<1x128xi32, #tpu.memory_space<vmem>>
      %dma_start3A_91 = tpu.memref_squeeze %dma_start3A_90 : memref<1x128xi32, #tpu.memory_space<vmem>> -> memref<128xi32, #tpu.memory_space<vmem>>
      %dma_start3A_92 = arith.constant 0 : i32
      %dma_start3A_93 = arith.constant 0 : i32
      %dma_start3A_94 = tpu.memref_slice %arg10[%dma_start3A_92, %dma_start3A_93] : memref<10240x128xf32, #tpu.memory_space<vmem_shared>> -> memref<10240x128xf32, #tpu.memory_space<vmem_shared>>
      tpu.enqueue_indirect_dma source(%arg9 : memref<128x128xf32, #tpu.memory_space<vmem>>) target(%dma_start3A_94 : memref<10240x128xf32, #tpu.memory_space<vmem_shared>>) offsets(%dma_start3A_91 : memref<128xi32, #tpu.memory_space<vmem>>) semaphore(%run_scoped3A_88 : memref<!tpu.dma_semaphore, #tpu.memory_space<semaphore_mem>>) {add = true}
      %dma_wait3A_95 = arith.constant 0 : i32
      %dma_wait3A_96 = tpu.memref_slice %arg7[%run_scoped3A_86, %dma_wait3A_95] : memref<40x128xi32, #tpu.memory_space<vmem>> -> memref<1x128xi32, #tpu.memory_space<vmem>>
      %dma_wait3A_97 = tpu.memref_squeeze %dma_wait3A_96 : memref<1x128xi32, #tpu.memory_space<vmem>> -> memref<128xi32, #tpu.memory_space<vmem>>
      %dma_wait3A_98 = arith.constant 0 : i32
      %dma_wait3A_99 = arith.constant 0 : i32
      %dma_wait3A_100 = tpu.memref_slice %arg10[%dma_wait3A_98, %dma_wait3A_99] : memref<10240x128xf32, #tpu.memory_space<vmem_shared>> -> memref<10240x128xf32, #tpu.memory_space<vmem_shared>>
      tpu.wait_indirect_dma semaphore(%run_scoped3A_88 : memref<!tpu.dma_semaphore, #tpu.memory_space<semaphore_mem>>) src(%arg9 : memref<128x128xf32, #tpu.memory_space<vmem>>) dst(%dma_wait3A_100 : memref<10240x128xf32, #tpu.memory_space<vmem_shared>>)
      tpu.yield
    }) : () -> ()
    %barrier3A_87 = arith.constant 0 : index
    tpu.barrier barrier_id(%barrier3A_87)
    "tpu.region"() ({
      %run_scoped3A_88 = tpu.sem_alloc : memref<!tpu.dma_semaphore, #tpu.memory_space<semaphore_mem>>
      %dma_start3A_89 = arith.constant 0 : i32
      %dma_start3A_90 = tpu.memref_slice %arg5[%arg0, %mul3A_2, %dma_start3A_89] : memref<2x10240x128xf32, #tpu.memory_space<hbm>> -> memref<1x640x128xf32, #tpu.memory_space<hbm>>
      %dma_start3A_91 = tpu.memref_squeeze %dma_start3A_90 : memref<1x640x128xf32, #tpu.memory_space<hbm>> -> memref<640x128xf32, #tpu.memory_space<hbm>>
      %dma_start3A_92 = arith.constant 0 : i32
      %dma_start3A_93 = tpu.memref_slice %arg10[%mul3A_2, %dma_start3A_92] : memref<10240x128xf32, #tpu.memory_space<vmem_shared>> -> memref<640x128xf32, #tpu.memory_space<vmem_shared>>
      tpu.enqueue_dma source(%dma_start3A_93 : memref<640x128xf32, #tpu.memory_space<vmem_shared>>) target(%dma_start3A_91 : memref<640x128xf32, #tpu.memory_space<hbm>>) target_semaphore(%run_scoped3A_88 : memref<!tpu.dma_semaphore, #tpu.memory_space<semaphore_mem>>)
      %dma_wait3A_94 = arith.constant 0 : i32
      %dma_wait3A_95 = tpu.memref_slice %arg5[%arg0, %mul3A_2, %dma_wait3A_94] : memref<2x10240x128xf32, #tpu.memory_space<hbm>> -> memref<1x640x128xf32, #tpu.memory_space<hbm>>
      %dma_wait3A_96 = tpu.memref_squeeze %dma_wait3A_95 : memref<1x640x128xf32, #tpu.memory_space<hbm>> -> memref<640x128xf32, #tpu.memory_space<hbm>>
      %dma_wait3A_97 = arith.constant 0 : i32
      %dma_wait3A_98 = tpu.memref_slice %arg10[%mul3A_2, %dma_wait3A_97] : memref<10240x128xf32, #tpu.memory_space<vmem_shared>> -> memref<640x128xf32, #tpu.memory_space<vmem_shared>>
      tpu.wait_dma2 semaphore(%run_scoped3A_88 : memref<!tpu.dma_semaphore, #tpu.memory_space<semaphore_mem>>) src(%dma_wait3A_98 : memref<640x128xf32, #tpu.memory_space<vmem_shared>>) dst(%dma_wait3A_96 : memref<640x128xf32, #tpu.memory_space<hbm>>)
      tpu.yield
    }) : () -> ()
    return
  }
}

#map = affine_map<(d0, d1) -> (0, 0, 0)>
#map1 = affine_map<(d0, d1) -> (0)>
module attributes {stable_mosaic.version = 14 : i64} {
  func.func @_degree_kernel(%arg0: i32, %arg1: i32, %arg2: memref<32x80x128xi32, #tpu.memory_space<hbm>>, %arg3: memref<32x80x128xi32, #tpu.memory_space<hbm>>, %arg4: memref<10240xf32, #tpu.memory_space<hbm>>, %arg5: memref<2x2x10240xf32, #tpu.memory_space<hbm>>, %arg6: memref<80x128xi32, #tpu.memory_space<vmem>>, %arg7: memref<80x128xi32, #tpu.memory_space<vmem>>, %arg8: memref<128xf32, #tpu.memory_space<vmem>>, %arg9: memref<10240xf32, #tpu.memory_space<vmem_shared>>, %arg10: memref<10240xf32, #tpu.memory_space<vmem_shared>>, %arg11: memref<!tpu.dma_semaphore, #tpu.memory_space<semaphore_mem>>, %arg12: memref<!tpu.dma_semaphore, #tpu.memory_space<semaphore_mem>>) attributes {dimension_semantics = [#tpu.dimension_semantics<core_parallel>, #tpu.dimension_semantics<subcore_parallel>], iteration_bounds = array<i64: 2, 16>, scalar_prefetch = 0 : i64, scratch_operands = 7 : i64, tpu.core_type = #tpu.core_type<sc_vector_subcore>, window_params = [{transform_indices = #map}, {transform_indices = #map}, {transform_indices = #map1}, {transform_indices = #map}]} {
    %mul3A = arith.constant 16 : i32
    %mul3A_0 = arith.muli %arg0, %mul3A : i32
    %add3A = arith.addi %mul3A_0, %arg1 : i32
    %eq3A = arith.constant 0 : i32
    %eq3A_1 = arith.cmpi eq, %arg1, %eq3A : i32
    %convert_element_type3A = arith.extui %eq3A_1 : i1 to i32
    %cond3A = arith.constant 0 : i32
    %cond3A_2 = arith.cmpi ne, %convert_element_type3A, %cond3A : i32
    scf.if %cond3A_2 {
      "tpu.region"() ({
        %run_scoped3A_58 = tpu.sem_alloc : memref<!tpu.dma_semaphore, #tpu.memory_space<semaphore_mem>>
        tpu.enqueue_dma source(%arg4 : memref<10240xf32, #tpu.memory_space<hbm>>) target(%arg9 : memref<10240xf32, #tpu.memory_space<vmem_shared>>) target_semaphore(%run_scoped3A_58 : memref<!tpu.dma_semaphore, #tpu.memory_space<semaphore_mem>>)
        tpu.wait_dma2 semaphore(%run_scoped3A_58 : memref<!tpu.dma_semaphore, #tpu.memory_space<semaphore_mem>>) src(%arg4 : memref<10240xf32, #tpu.memory_space<hbm>>) dst(%arg9 : memref<10240xf32, #tpu.memory_space<vmem_shared>>)
        tpu.yield
      }) : () -> ()
      "tpu.region"() ({
        %run_scoped3A_58 = tpu.sem_alloc : memref<!tpu.dma_semaphore, #tpu.memory_space<semaphore_mem>>
        tpu.enqueue_dma source(%arg4 : memref<10240xf32, #tpu.memory_space<hbm>>) target(%arg10 : memref<10240xf32, #tpu.memory_space<vmem_shared>>) target_semaphore(%run_scoped3A_58 : memref<!tpu.dma_semaphore, #tpu.memory_space<semaphore_mem>>)
        tpu.wait_dma2 semaphore(%run_scoped3A_58 : memref<!tpu.dma_semaphore, #tpu.memory_space<semaphore_mem>>) src(%arg4 : memref<10240xf32, #tpu.memory_space<hbm>>) dst(%arg10 : memref<10240xf32, #tpu.memory_space<vmem_shared>>)
        tpu.yield
      }) : () -> ()
    } else {
    }
    "tpu.region"() ({
      %run_scoped3A_58 = tpu.sem_alloc : memref<!tpu.dma_semaphore, #tpu.memory_space<semaphore_mem>>
      %dma_start3A = arith.constant 0 : i32
      %dma_start3A_59 = arith.constant 0 : i32
      %dma_start3A_60 = tpu.memref_slice %arg2[%add3A, %dma_start3A, %dma_start3A_59] : memref<32x80x128xi32, #tpu.memory_space<hbm>> -> memref<1x80x128xi32, #tpu.memory_space<hbm>>
      %dma_start3A_61 = tpu.memref_squeeze %dma_start3A_60 : memref<1x80x128xi32, #tpu.memory_space<hbm>> -> memref<80x128xi32, #tpu.memory_space<hbm>>
      %dma_start3A_62 = arith.constant 0 : i32
      %dma_start3A_63 = arith.constant 0 : i32
      %dma_start3A_64 = tpu.memref_slice %arg2[%add3A, %dma_start3A_62, %dma_start3A_63] : memref<32x80x128xi32, #tpu.memory_space<hbm>> -> memref<1x80x128xi32, #tpu.memory_space<hbm>>
      %dma_start3A_65 = tpu.memref_squeeze %dma_start3A_64 : memref<1x80x128xi32, #tpu.memory_space<hbm>> -> memref<80x128xi32, #tpu.memory_space<hbm>>
      tpu.enqueue_dma source(%dma_start3A_65 : memref<80x128xi32, #tpu.memory_space<hbm>>) target(%arg6 : memref<80x128xi32, #tpu.memory_space<vmem>>) target_semaphore(%run_scoped3A_58 : memref<!tpu.dma_semaphore, #tpu.memory_space<semaphore_mem>>)
      %dma_wait3A = arith.constant 0 : i32
      %dma_wait3A_66 = arith.constant 0 : i32
      %dma_wait3A_67 = tpu.memref_slice %arg2[%add3A, %dma_wait3A, %dma_wait3A_66] : memref<32x80x128xi32, #tpu.memory_space<hbm>> -> memref<1x80x128xi32, #tpu.memory_space<hbm>>
      %dma_wait3A_68 = tpu.memref_squeeze %dma_wait3A_67 : memref<1x80x128xi32, #tpu.memory_space<hbm>> -> memref<80x128xi32, #tpu.memory_space<hbm>>
      %dma_wait3A_69 = arith.constant 0 : i32
      %dma_wait3A_70 = arith.constant 0 : i32
      %dma_wait3A_71 = tpu.memref_slice %arg2[%add3A, %dma_wait3A_69, %dma_wait3A_70] : memref<32x80x128xi32, #tpu.memory_space<hbm>> -> memref<1x80x128xi32, #tpu.memory_space<hbm>>
      %dma_wait3A_72 = tpu.memref_squeeze %dma_wait3A_71 : memref<1x80x128xi32, #tpu.memory_space<hbm>> -> memref<80x128xi32, #tpu.memory_space<hbm>>
      tpu.wait_dma2 semaphore(%run_scoped3A_58 : memref<!tpu.dma_semaphore, #tpu.memory_space<semaphore_mem>>) src(%dma_wait3A_72 : memref<80x128xi32, #tpu.memory_space<hbm>>) dst(%arg6 : memref<80x128xi32, #tpu.memory_space<vmem>>)
      tpu.yield
    }) : () -> ()
    "tpu.region"() ({
      %run_scoped3A_58 = tpu.sem_alloc : memref<!tpu.dma_semaphore, #tpu.memory_space<semaphore_mem>>
      %dma_start3A = arith.constant 0 : i32
      %dma_start3A_59 = arith.constant 0 : i32
      %dma_start3A_60 = tpu.memref_slice %arg3[%add3A, %dma_start3A, %dma_start3A_59] : memref<32x80x128xi32, #tpu.memory_space<hbm>> -> memref<1x80x128xi32, #tpu.memory_space<hbm>>
      %dma_start3A_61 = tpu.memref_squeeze %dma_start3A_60 : memref<1x80x128xi32, #tpu.memory_space<hbm>> -> memref<80x128xi32, #tpu.memory_space<hbm>>
      %dma_start3A_62 = arith.constant 0 : i32
      %dma_start3A_63 = arith.constant 0 : i32
      %dma_start3A_64 = tpu.memref_slice %arg3[%add3A, %dma_start3A_62, %dma_start3A_63] : memref<32x80x128xi32, #tpu.memory_space<hbm>> -> memref<1x80x128xi32, #tpu.memory_space<hbm>>
      %dma_start3A_65 = tpu.memref_squeeze %dma_start3A_64 : memref<1x80x128xi32, #tpu.memory_space<hbm>> -> memref<80x128xi32, #tpu.memory_space<hbm>>
      tpu.enqueue_dma source(%dma_start3A_65 : memref<80x128xi32, #tpu.memory_space<hbm>>) target(%arg7 : memref<80x128xi32, #tpu.memory_space<vmem>>) target_semaphore(%run_scoped3A_58 : memref<!tpu.dma_semaphore, #tpu.memory_space<semaphore_mem>>)
      %dma_wait3A = arith.constant 0 : i32
      %dma_wait3A_66 = arith.constant 0 : i32
      %dma_wait3A_67 = tpu.memref_slice %arg3[%add3A, %dma_wait3A, %dma_wait3A_66] : memref<32x80x128xi32, #tpu.memory_space<hbm>> -> memref<1x80x128xi32, #tpu.memory_space<hbm>>
      %dma_wait3A_68 = tpu.memref_squeeze %dma_wait3A_67 : memref<1x80x128xi32, #tpu.memory_space<hbm>> -> memref<80x128xi32, #tpu.memory_space<hbm>>
      %dma_wait3A_69 = arith.constant 0 : i32
      %dma_wait3A_70 = arith.constant 0 : i32
      %dma_wait3A_71 = tpu.memref_slice %arg3[%add3A, %dma_wait3A_69, %dma_wait3A_70] : memref<32x80x128xi32, #tpu.memory_space<hbm>> -> memref<1x80x128xi32, #tpu.memory_space<hbm>>
      %dma_wait3A_72 = tpu.memref_squeeze %dma_wait3A_71 : memref<1x80x128xi32, #tpu.memory_space<hbm>> -> memref<80x128xi32, #tpu.memory_space<hbm>>
      tpu.wait_dma2 semaphore(%run_scoped3A_58 : memref<!tpu.dma_semaphore, #tpu.memory_space<semaphore_mem>>) src(%dma_wait3A_72 : memref<80x128xi32, #tpu.memory_space<hbm>>) dst(%arg7 : memref<80x128xi32, #tpu.memory_space<vmem>>)
      tpu.yield
    }) : () -> ()
    %broadcast_in_dim3A = arith.constant 1.000000e+00 : f32
    %broadcast_in_dim3A_3 = vector.broadcast %broadcast_in_dim3A : f32 to vector<16xf32>
    %swap3A = arith.constant 0 : index
    %swap3A_4 = tpu.vector_load %arg8[%swap3A] {strides = array<i32>} : memref<128xf32, #tpu.memory_space<vmem>>, vector<16xf32>,
    %swap3A_5 = vector.shape_cast %swap3A_4 : vector<16xf32> to vector<16xf32>
    %swap3A_6 = vector.shape_cast %broadcast_in_dim3A_3 : vector<16xf32> to vector<16xf32>
    tpu.vector_store %arg8[%swap3A], %swap3A_6 {strides = array<i32>} : memref<128xf32, #tpu.memory_space<vmem>>, vector<16xf32>,
    %broadcast_in_dim3A_7 = arith.constant 1.000000e+00 : f32
    %broadcast_in_dim3A_8 = vector.broadcast %broadcast_in_dim3A_7 : f32 to vector<16xf32>
    %swap3A_9 = arith.constant 16 : index
    %swap3A_10 = tpu.vector_load %arg8[%swap3A_9] {strides = array<i32>} : memref<128xf32, #tpu.memory_space<vmem>>, vector<16xf32>,
    %swap3A_11 = vector.shape_cast %swap3A_10 : vector<16xf32> to vector<16xf32>
    %swap3A_12 = vector.shape_cast %broadcast_in_dim3A_8 : vector<16xf32> to vector<16xf32>
    tpu.vector_store %arg8[%swap3A_9], %swap3A_12 {strides = array<i32>} : memref<128xf32, #tpu.memory_space<vmem>>, vector<16xf32>,
    %broadcast_in_dim3A_13 = arith.constant 1.000000e+00 : f32
    %broadcast_in_dim3A_14 = vector.broadcast %broadcast_in_dim3A_13 : f32 to vector<16xf32>
    %swap3A_15 = arith.constant 32 : index
    %swap3A_16 = tpu.vector_load %arg8[%swap3A_15] {strides = array<i32>} : memref<128xf32, #tpu.memory_space<vmem>>, vector<16xf32>,
    %swap3A_17 = vector.shape_cast %swap3A_16 : vector<16xf32> to vector<16xf32>
    %swap3A_18 = vector.shape_cast %broadcast_in_dim3A_14 : vector<16xf32> to vector<16xf32>
    tpu.vector_store %arg8[%swap3A_15], %swap3A_18 {strides = array<i32>} : memref<128xf32, #tpu.memory_space<vmem>>, vector<16xf32>,
    %broadcast_in_dim3A_19 = arith.constant 1.000000e+00 : f32
    %broadcast_in_dim3A_20 = vector.broadcast %broadcast_in_dim3A_19 : f32 to vector<16xf32>
    %swap3A_21 = arith.constant 48 : index
    %swap3A_22 = tpu.vector_load %arg8[%swap3A_21] {strides = array<i32>} : memref<128xf32, #tpu.memory_space<vmem>>, vector<16xf32>,
    %swap3A_23 = vector.shape_cast %swap3A_22 : vector<16xf32> to vector<16xf32>
    %swap3A_24 = vector.shape_cast %broadcast_in_dim3A_20 : vector<16xf32> to vector<16xf32>
    tpu.vector_store %arg8[%swap3A_21], %swap3A_24 {strides = array<i32>} : memref<128xf32, #tpu.memory_space<vmem>>, vector<16xf32>,
    %broadcast_in_dim3A_25 = arith.constant 1.000000e+00 : f32
    %broadcast_in_dim3A_26 = vector.broadcast %broadcast_in_dim3A_25 : f32 to vector<16xf32>
    %swap3A_27 = arith.constant 64 : index
    %swap3A_28 = tpu.vector_load %arg8[%swap3A_27] {strides = array<i32>} : memref<128xf32, #tpu.memory_space<vmem>>, vector<16xf32>,
    %swap3A_29 = vector.shape_cast %swap3A_28 : vector<16xf32> to vector<16xf32>
    %swap3A_30 = vector.shape_cast %broadcast_in_dim3A_26 : vector<16xf32> to vector<16xf32>
    tpu.vector_store %arg8[%swap3A_27], %swap3A_30 {strides = array<i32>} : memref<128xf32, #tpu.memory_space<vmem>>, vector<16xf32>,
    %broadcast_in_dim3A_31 = arith.constant 1.000000e+00 : f32
    %broadcast_in_dim3A_32 = vector.broadcast %broadcast_in_dim3A_31 : f32 to vector<16xf32>
    %swap3A_33 = arith.constant 80 : index
    %swap3A_34 = tpu.vector_load %arg8[%swap3A_33] {strides = array<i32>} : memref<128xf32, #tpu.memory_space<vmem>>, vector<16xf32>,
    %swap3A_35 = vector.shape_cast %swap3A_34 : vector<16xf32> to vector<16xf32>
    %swap3A_36 = vector.shape_cast %broadcast_in_dim3A_32 : vector<16xf32> to vector<16xf32>
    tpu.vector_store %arg8[%swap3A_33], %swap3A_36 {strides = array<i32>} : memref<128xf32, #tpu.memory_space<vmem>>, vector<16xf32>,
    %broadcast_in_dim3A_37 = arith.constant 1.000000e+00 : f32
    %broadcast_in_dim3A_38 = vector.broadcast %broadcast_in_dim3A_37 : f32 to vector<16xf32>
    %swap3A_39 = arith.constant 96 : index
    %swap3A_40 = tpu.vector_load %arg8[%swap3A_39] {strides = array<i32>} : memref<128xf32, #tpu.memory_space<vmem>>, vector<16xf32>,
    %swap3A_41 = vector.shape_cast %swap3A_40 : vector<16xf32> to vector<16xf32>
    %swap3A_42 = vector.shape_cast %broadcast_in_dim3A_38 : vector<16xf32> to vector<16xf32>
    tpu.vector_store %arg8[%swap3A_39], %swap3A_42 {strides = array<i32>} : memref<128xf32, #tpu.memory_space<vmem>>, vector<16xf32>,
    %broadcast_in_dim3A_43 = arith.constant 1.000000e+00 : f32
    %broadcast_in_dim3A_44 = vector.broadcast %broadcast_in_dim3A_43 : f32 to vector<16xf32>
    %swap3A_45 = arith.constant 112 : index
    %swap3A_46 = tpu.vector_load %arg8[%swap3A_45] {strides = array<i32>} : memref<128xf32, #tpu.memory_space<vmem>>, vector<16xf32>,
    %swap3A_47 = vector.shape_cast %swap3A_46 : vector<16xf32> to vector<16xf32>
    %swap3A_48 = vector.shape_cast %broadcast_in_dim3A_44 : vector<16xf32> to vector<16xf32>
    tpu.vector_store %arg8[%swap3A_45], %swap3A_48 {strides = array<i32>} : memref<128xf32, #tpu.memory_space<vmem>>, vector<16xf32>,
    %barrier3A = arith.constant 0 : index
    tpu.barrier barrier_id(%barrier3A)
    %scan3A = arith.constant 0 : i32
    %scan3A_49 = arith.constant 0 : i32
    %scan3A_50 = arith.constant 80 : i32
    %scan3A_51 = arith.addi %scan3A_49, %scan3A_50 : i32
    %scan3A_52 = arith.constant 1 : i32
    scf.for %scan3A_58 = %scan3A_49 to %scan3A_51 step %scan3A_52  : i32 {
      %dma_start3A = arith.constant 0 : i32
      %dma_start3A_59 = tpu.memref_slice %arg6[%scan3A_58, %dma_start3A] : memref<80x128xi32, #tpu.memory_space<vmem>> -> memref<1x128xi32, #tpu.memory_space<vmem>>
      %dma_start3A_60 = tpu.memref_squeeze %dma_start3A_59 : memref<1x128xi32, #tpu.memory_space<vmem>> -> memref<128xi32, #tpu.memory_space<vmem>>
      %dma_start3A_61 = arith.constant 0 : i32
      %dma_start3A_62 = tpu.memref_slice %arg9[%dma_start3A_61] : memref<10240xf32, #tpu.memory_space<vmem_shared>> -> memref<10240xf32, #tpu.memory_space<vmem_shared>>
      tpu.enqueue_indirect_dma source(%arg8 : memref<128xf32, #tpu.memory_space<vmem>>) target(%dma_start3A_62 : memref<10240xf32, #tpu.memory_space<vmem_shared>>) offsets(%dma_start3A_60 : memref<128xi32, #tpu.memory_space<vmem>>) semaphore(%arg11 : memref<!tpu.dma_semaphore, #tpu.memory_space<semaphore_mem>>) {add = true}
      %dma_start3A_63 = arith.constant 0 : i32
      %dma_start3A_64 = tpu.memref_slice %arg7[%scan3A_58, %dma_start3A_63] : memref<80x128xi32, #tpu.memory_space<vmem>> -> memref<1x128xi32, #tpu.memory_space<vmem>>
      %dma_start3A_65 = tpu.memref_squeeze %dma_start3A_64 : memref<1x128xi32, #tpu.memory_space<vmem>> -> memref<128xi32, #tpu.memory_space<vmem>>
      %dma_start3A_66 = arith.constant 0 : i32
      %dma_start3A_67 = tpu.memref_slice %arg10[%dma_start3A_66] : memref<10240xf32, #tpu.memory_space<vmem_shared>> -> memref<10240xf32, #tpu.memory_space<vmem_shared>>
      tpu.enqueue_indirect_dma source(%arg8 : memref<128xf32, #tpu.memory_space<vmem>>) target(%dma_start3A_67 : memref<10240xf32, #tpu.memory_space<vmem_shared>>) offsets(%dma_start3A_65 : memref<128xi32, #tpu.memory_space<vmem>>) semaphore(%arg12 : memref<!tpu.dma_semaphore, #tpu.memory_space<semaphore_mem>>) {add = true}
      %dma_wait3A = arith.constant 0 : i32
      %dma_wait3A_68 = tpu.memref_slice %arg6[%scan3A_58, %dma_wait3A] : memref<80x128xi32, #tpu.memory_space<vmem>> -> memref<1x128xi32, #tpu.memory_space<vmem>>
      %dma_wait3A_69 = tpu.memref_squeeze %dma_wait3A_68 : memref<1x128xi32, #tpu.memory_space<vmem>> -> memref<128xi32, #tpu.memory_space<vmem>>
      %dma_wait3A_70 = arith.constant 0 : i32
      %dma_wait3A_71 = tpu.memref_slice %arg9[%dma_wait3A_70] : memref<10240xf32, #tpu.memory_space<vmem_shared>> -> memref<10240xf32, #tpu.memory_space<vmem_shared>>
      tpu.wait_indirect_dma semaphore(%arg11 : memref<!tpu.dma_semaphore, #tpu.memory_space<semaphore_mem>>) src(%arg8 : memref<128xf32, #tpu.memory_space<vmem>>) dst(%dma_wait3A_71 : memref<10240xf32, #tpu.memory_space<vmem_shared>>)
      %dma_wait3A_72 = arith.constant 0 : i32
      %dma_wait3A_73 = tpu.memref_slice %arg7[%scan3A_58, %dma_wait3A_72] : memref<80x128xi32, #tpu.memory_space<vmem>> -> memref<1x128xi32, #tpu.memory_space<vmem>>
      %dma_wait3A_74 = tpu.memref_squeeze %dma_wait3A_73 : memref<1x128xi32, #tpu.memory_space<vmem>> -> memref<128xi32, #tpu.memory_space<vmem>>
      %dma_wait3A_75 = arith.constant 0 : i32
      %dma_wait3A_76 = tpu.memref_slice %arg10[%dma_wait3A_75] : memref<10240xf32, #tpu.memory_space<vmem_shared>> -> memref<10240xf32, #tpu.memory_space<vmem_shared>>
      tpu.wait_indirect_dma semaphore(%arg12 : memref<!tpu.dma_semaphore, #tpu.memory_space<semaphore_mem>>) src(%arg8 : memref<128xf32, #tpu.memory_space<vmem>>) dst(%dma_wait3A_76 : memref<10240xf32, #tpu.memory_space<vmem_shared>>)
    }
    %scan3A_53 = arith.constant 80 : i32
    %barrier3A_54 = arith.constant 0 : index
    tpu.barrier barrier_id(%barrier3A_54)
    %mul3A_55 = arith.constant 640 : i32
    %mul3A_56 = arith.muli %arg1, %mul3A_55 : i32
    %run_scoped3A = arith.constant 0 : i32
    "tpu.region"() ({
      %run_scoped3A_58 = tpu.sem_alloc : memref<!tpu.dma_semaphore, #tpu.memory_space<semaphore_mem>>
      %dma_start3A = tpu.memref_slice %arg5[%arg0, %run_scoped3A, %mul3A_56] : memref<2x2x10240xf32, #tpu.memory_space<hbm>> -> memref<1x1x640xf32, #tpu.memory_space<hbm>>
      %dma_start3A_59 = tpu.memref_squeeze %dma_start3A : memref<1x1x640xf32, #tpu.memory_space<hbm>> -> memref<640xf32, #tpu.memory_space<hbm>>
      %dma_start3A_60 = tpu.memref_slice %arg9[%mul3A_56] : memref<10240xf32, #tpu.memory_space<vmem_shared>> -> memref<640xf32, #tpu.memory_space<vmem_shared>>
      tpu.enqueue_dma source(%dma_start3A_60 : memref<640xf32, #tpu.memory_space<vmem_shared>>) target(%dma_start3A_59 : memref<640xf32, #tpu.memory_space<hbm>>) target_semaphore(%run_scoped3A_58 : memref<!tpu.dma_semaphore, #tpu.memory_space<semaphore_mem>>)
      %dma_wait3A = tpu.memref_slice %arg5[%arg0, %run_scoped3A, %mul3A_56] : memref<2x2x10240xf32, #tpu.memory_space<hbm>> -> memref<1x1x640xf32, #tpu.memory_space<hbm>>
      %dma_wait3A_61 = tpu.memref_squeeze %dma_wait3A : memref<1x1x640xf32, #tpu.memory_space<hbm>> -> memref<640xf32, #tpu.memory_space<hbm>>
      %dma_wait3A_62 = tpu.memref_slice %arg9[%mul3A_56] : memref<10240xf32, #tpu.memory_space<vmem_shared>> -> memref<640xf32, #tpu.memory_space<vmem_shared>>
      tpu.wait_dma2 semaphore(%run_scoped3A_58 : memref<!tpu.dma_semaphore, #tpu.memory_space<semaphore_mem>>) src(%dma_wait3A_62 : memref<640xf32, #tpu.memory_space<vmem_shared>>) dst(%dma_wait3A_61 : memref<640xf32, #tpu.memory_space<hbm>>)
      tpu.yield
    }) : () -> ()
    %run_scoped3A_57 = arith.constant 1 : i32
    "tpu.region"() ({
      %run_scoped3A_58 = tpu.sem_alloc : memref<!tpu.dma_semaphore, #tpu.memory_space<semaphore_mem>>
      %dma_start3A = tpu.memref_slice %arg5[%arg0, %run_scoped3A_57, %mul3A_56] : memref<2x2x10240xf32, #tpu.memory_space<hbm>> -> memref<1x1x640xf32, #tpu.memory_space<hbm>>
      %dma_start3A_59 = tpu.memref_squeeze %dma_start3A : memref<1x1x640xf32, #tpu.memory_space<hbm>> -> memref<640xf32, #tpu.memory_space<hbm>>
      %dma_start3A_60 = tpu.memref_slice %arg10[%mul3A_56] : memref<10240xf32, #tpu.memory_space<vmem_shared>> -> memref<640xf32, #tpu.memory_space<vmem_shared>>
      tpu.enqueue_dma source(%dma_start3A_60 : memref<640xf32, #tpu.memory_space<vmem_shared>>) target(%dma_start3A_59 : memref<640xf32, #tpu.memory_space<hbm>>) target_semaphore(%run_scoped3A_58 : memref<!tpu.dma_semaphore, #tpu.memory_space<semaphore_mem>>)
      %dma_wait3A = tpu.memref_slice %arg5[%arg0, %run_scoped3A_57, %mul3A_56] : memref<2x2x10240xf32, #tpu.memory_space<hbm>> -> memref<1x1x640xf32, #tpu.memory_space<hbm>>
      %dma_wait3A_61 = tpu.memref_squeeze %dma_wait3A : memref<1x1x640xf32, #tpu.memory_space<hbm>> -> memref<640xf32, #tpu.memory_space<hbm>>
      %dma_wait3A_62 = tpu.memref_slice %arg10[%mul3A_56] : memref<10240xf32, #tpu.memory_space<vmem_shared>> -> memref<640xf32, #tpu.memory_space<vmem_shared>>
      tpu.wait_dma2 semaphore(%run_scoped3A_58 : memref<!tpu.dma_semaphore, #tpu.memory_space<semaphore_mem>>) src(%dma_wait3A_62 : memref<640xf32, #tpu.memory_space<vmem_shared>>) dst(%dma_wait3A_61 : memref<640xf32, #tpu.memory_space<hbm>>)
      tpu.yield
    }) : () -> ()
    return
  }
}

module attributes {stable_mosaic.version = 14 : i64} {
  func.func @_mm1_body(%arg0: i32, %arg1: memref<2x2x1024xf32, #tpu.memory_space<vmem>>, %arg2: memref<1024x128xf32, #tpu.memory_space<vmem>>, %arg3: memref<128x128xf32, #tpu.memory_space<vmem>>, %arg4: memref<1024x128xf32, #tpu.memory_space<vmem>>) attributes {dimension_semantics = [#tpu.dimension_semantics<arbitrary>], iteration_bounds = array<i64: 10>, scalar_prefetch = 0 : i64, scratch_operands = 0 : i64, tpu.core_type = #tpu.core_type<tc>, window_params = [{transform_indices = @transform_0, window_bounds = array<i64: 2, 2, 1024>}, {transform_indices = @transform_1, window_bounds = array<i64: 1024, 128>}, {pipeline_mode = #tpu.pipeline_mode<synchronous>, transform_indices = @transform_2, window_bounds = array<i64: 128, 128>}, {transform_indices = @transform_3, window_bounds = array<i64: 1024, 128>}]} {
    %get3A = arith.constant 0 : index
    %get3A_0 = arith.constant 0 : index
    %get3A_1 = arith.constant 0 : index
    %get3A_2 = vector.load %arg1[%get3A, %get3A_0, %get3A_1] : memref<2x2x1024xf32, #tpu.memory_space<vmem>>, vector<2x2x1024xf32>
    %slice3A = vector.extract_strided_slice %get3A_2 {offsets = [0, 0, 0], sizes = [1, 1, 1024], strides = [1, 1, 1]} : vector<2x2x1024xf32> to vector<1x1x1024xf32>
    %squeeze3A = vector.shape_cast %slice3A : vector<1x1x1024xf32> to vector<1024xf32>
    %slice3A_3 = vector.extract_strided_slice %get3A_2 {offsets = [1, 0, 0], sizes = [1, 1, 1024], strides = [1, 1, 1]} : vector<2x2x1024xf32> to vector<1x1x1024xf32>
    %squeeze3A_4 = vector.shape_cast %slice3A_3 : vector<1x1x1024xf32> to vector<1024xf32>
    %add3A = arith.addf %squeeze3A, %squeeze3A_4 : vector<1024xf32>
    %gt3A = arith.constant 0.000000e+00 : f32
    %gt3A_5 = vector.broadcast %gt3A : f32 to vector<1024xf32>
    %gt3A_6 = arith.cmpf ogt, %add3A, %gt3A_5 : vector<1024xf32>
    %max3A = arith.constant 9.99999996E-13 : f32
    %max3A_7 = vector.broadcast %max3A : f32 to vector<1024xf32>
    %max3A_8 = arith.maximumf %add3A, %max3A_7 : vector<1024xf32>
    %rsqrt3A = math.rsqrt %max3A_8 : vector<1024xf32>
    %jit3A = arith.constant 0.000000e+00 : f32
    %broadcast_in_dim3A = vector.broadcast %jit3A : f32 to vector<1024xf32>
    %select_n3A = arith.select %gt3A_6, %rsqrt3A, %broadcast_in_dim3A : vector<1024xi1>, vector<1024xf32>
    %get3A_9 = arith.constant 0 : index
    %get3A_10 = arith.constant 0 : index
    %get3A_11 = vector.load %arg2[%get3A_9, %get3A_10] : memref<1024x128xf32, #tpu.memory_space<vmem>>, vector<1024x128xf32>
    %broadcast_in_dim3A_12 = vector.shape_cast %select_n3A : vector<1024xf32> to vector<1024x1xf32>
    %mul3A = vector.broadcast %broadcast_in_dim3A_12 : vector<1024x1xf32> to vector<1024x128xf32>
    %mul3A_13 = arith.mulf %get3A_11, %mul3A : vector<1024x128xf32>
    %get3A_14 = arith.constant 0 : index
    %get3A_15 = arith.constant 0 : index
    %get3A_16 = vector.load %arg3[%get3A_14, %get3A_15] : memref<128x128xf32, #tpu.memory_space<vmem>>, vector<128x128xf32>
    %dot_general3A = arith.constant dense<0.000000e+00> : vector<1024x128xf32>
    %dot_general3A_17 = tpu.matmul %mul3A_13, %get3A_16, %dot_general3A {dimension_numbers = #tpu.dot_dimension_numbers<[1], [0], [0], [1], [0, 0, 1, 1], [], []>, transpose_lhs_hint = false} : vector<1024x128xf32>, vector<128x128xf32>, vector<1024x128xf32> -> vector<1024x128xf32>
    %swap3A = arith.constant 0 : index
    %swap3A_18 = arith.constant 0 : index
    %swap3A_19 = vector.load %arg4[%swap3A, %swap3A_18] : memref<1024x128xf32, #tpu.memory_space<vmem>>, vector<1024x128xf32>
    tpu.vector_store %arg4[%swap3A, %swap3A_18], %dot_general3A_17 {strides = array<i32>} : memref<1024x128xf32, #tpu.memory_space<vmem>>, vector<1024x128xf32>,
    return
  }
  func.func @transform_0(%arg0: i32) -> (i32, i32, i32) {
    %c0_i32 = arith.constant 0 : i32
    %c0_i32_0 = arith.constant 0 : i32
    %c0_i32_1 = arith.constant 0 : i32
    return %c0_i32, %c0_i32_0, %arg0 : i32, i32, i32
  }
  func.func @transform_1(%arg0: i32) -> (i32, i32) {
    %c0_i32 = arith.constant 0 : i32
    %c0_i32_0 = arith.constant 0 : i32
    return %arg0, %c0_i32 : i32, i32
  }
  func.func @transform_2(%arg0: i32) -> (i32, i32) {
    %c0_i32 = arith.constant 0 : i32
    %c0_i32_0 = arith.constant 0 : i32
    %c0_i32_1 = arith.constant 0 : i32
    return %c0_i32, %c0_i32_0 : i32, i32
  }
  func.func @transform_3(%arg0: i32) -> (i32, i32) {
    %c0_i32 = arith.constant 0 : i32
    %c0_i32_0 = arith.constant 0 : i32
    return %arg0, %c0_i32 : i32, i32
  }
}

module attributes {stable_mosaic.version = 14 : i64} {
  func.func @_mm2_body(%arg0: i32, %arg1: memref<2x1024x128xf32, #tpu.memory_space<vmem>>, %arg2: memref<2x2x1024xf32, #tpu.memory_space<vmem>>, %arg3: memref<1x128xf32, #tpu.memory_space<vmem>>, %arg4: memref<128x16xf32, #tpu.memory_space<vmem>>, %arg5: memref<1x16xf32, #tpu.memory_space<vmem>>, %arg6: memref<1024x16xf32, #tpu.memory_space<vmem>>) attributes {dimension_semantics = [#tpu.dimension_semantics<arbitrary>], iteration_bounds = array<i64: 10>, scalar_prefetch = 0 : i64, scratch_operands = 0 : i64, tpu.core_type = #tpu.core_type<tc>, window_params = [{transform_indices = @transform_0, window_bounds = array<i64: 2, 1024, 128>}, {transform_indices = @transform_1, window_bounds = array<i64: 2, 2, 1024>}, {pipeline_mode = #tpu.pipeline_mode<synchronous>, transform_indices = @transform_2, window_bounds = array<i64: 1, 128>}, {pipeline_mode = #tpu.pipeline_mode<synchronous>, transform_indices = @transform_3, window_bounds = array<i64: 128, 16>}, {pipeline_mode = #tpu.pipeline_mode<synchronous>, transform_indices = @transform_4, window_bounds = array<i64: 1, 16>}, {transform_indices = @transform_5, window_bounds = array<i64: 1024, 16>}]} {
    %get3A = arith.constant 0 : index
    %get3A_0 = arith.constant 0 : index
    %get3A_1 = arith.constant 0 : index
    %get3A_2 = vector.load %arg1[%get3A, %get3A_0, %get3A_1] : memref<2x1024x128xf32, #tpu.memory_space<vmem>>, vector<2x1024x128xf32>
    %slice3A = vector.extract_strided_slice %get3A_2 {offsets = [0, 0, 0], sizes = [1, 1024, 128], strides = [1, 1, 1]} : vector<2x1024x128xf32> to vector<1x1024x128xf32>
    %squeeze3A = vector.shape_cast %slice3A : vector<1x1024x128xf32> to vector<1024x128xf32>
    %slice3A_3 = vector.extract_strided_slice %get3A_2 {offsets = [1, 0, 0], sizes = [1, 1024, 128], strides = [1, 1, 1]} : vector<2x1024x128xf32> to vector<1x1024x128xf32>
    %squeeze3A_4 = vector.shape_cast %slice3A_3 : vector<1x1024x128xf32> to vector<1024x128xf32>
    %add3A = arith.addf %squeeze3A, %squeeze3A_4 : vector<1024x128xf32>
    %get3A_5 = arith.constant 0 : index
    %get3A_6 = arith.constant 0 : index
    %get3A_7 = arith.constant 0 : index
    %get3A_8 = vector.load %arg2[%get3A_5, %get3A_6, %get3A_7] : memref<2x2x1024xf32, #tpu.memory_space<vmem>>, vector<2x2x1024xf32>
    %slice3A_9 = vector.extract_strided_slice %get3A_8 {offsets = [0, 1, 0], sizes = [1, 1, 1024], strides = [1, 1, 1]} : vector<2x2x1024xf32> to vector<1x1x1024xf32>
    %squeeze3A_10 = vector.shape_cast %slice3A_9 : vector<1x1x1024xf32> to vector<1024xf32>
    %slice3A_11 = vector.extract_strided_slice %get3A_8 {offsets = [1, 1, 0], sizes = [1, 1, 1024], strides = [1, 1, 1]} : vector<2x2x1024xf32> to vector<1x1x1024xf32>
    %squeeze3A_12 = vector.shape_cast %slice3A_11 : vector<1x1x1024xf32> to vector<1024xf32>
    %add3A_13 = arith.addf %squeeze3A_10, %squeeze3A_12 : vector<1024xf32>
    %gt3A = arith.constant 0.000000e+00 : f32
    %gt3A_14 = vector.broadcast %gt3A : f32 to vector<1024xf32>
    %gt3A_15 = arith.cmpf ogt, %add3A_13, %gt3A_14 : vector<1024xf32>
    %max3A = arith.constant 9.99999996E-13 : f32
    %max3A_16 = vector.broadcast %max3A : f32 to vector<1024xf32>
    %max3A_17 = arith.maximumf %add3A_13, %max3A_16 : vector<1024xf32>
    %rsqrt3A = math.rsqrt %max3A_17 : vector<1024xf32>
    %jit3A = arith.constant 0.000000e+00 : f32
    %broadcast_in_dim3A = vector.broadcast %jit3A : f32 to vector<1024xf32>
    %select_n3A = arith.select %gt3A_15, %rsqrt3A, %broadcast_in_dim3A : vector<1024xi1>, vector<1024xf32>
    %broadcast_in_dim3A_18 = vector.shape_cast %select_n3A : vector<1024xf32> to vector<1024x1xf32>
    %mul3A = vector.broadcast %broadcast_in_dim3A_18 : vector<1024x1xf32> to vector<1024x128xf32>
    %mul3A_19 = arith.mulf %add3A, %mul3A : vector<1024x128xf32>
    %get3A_20 = arith.constant 0 : index
    %get3A_21 = arith.constant 0 : index
    %get3A_22 = vector.load %arg3[%get3A_20, %get3A_21] : memref<1x128xf32, #tpu.memory_space<vmem>>, vector<1x128xf32>
    %add3A_23 = vector.broadcast %get3A_22 : vector<1x128xf32> to vector<1024x128xf32>
    %add3A_24 = arith.addf %mul3A_19, %add3A_23 : vector<1024x128xf32>
    %max3A_25 = arith.constant 0.000000e+00 : f32
    %max3A_26 = vector.broadcast %max3A_25 : f32 to vector<1024x128xf32>
    %max3A_27 = arith.maximumf %add3A_24, %max3A_26 : vector<1024x128xf32>
    %get3A_28 = arith.constant 0 : index
    %get3A_29 = arith.constant 0 : index
    %get3A_30 = vector.load %arg4[%get3A_28, %get3A_29] : memref<128x16xf32, #tpu.memory_space<vmem>>, vector<128x16xf32>
    %dot_general3A = arith.constant dense<0.000000e+00> : vector<1024x16xf32>
    %dot_general3A_31 = tpu.matmul %max3A_27, %get3A_30, %dot_general3A {dimension_numbers = #tpu.dot_dimension_numbers<[1], [0], [0], [1], [0, 0, 1, 1], [], []>, transpose_lhs_hint = false} : vector<1024x128xf32>, vector<128x16xf32>, vector<1024x16xf32> -> vector<1024x16xf32>
    %get3A_32 = arith.constant 0 : index
    %get3A_33 = arith.constant 0 : index
    %get3A_34 = vector.load %arg5[%get3A_32, %get3A_33] : memref<1x16xf32, #tpu.memory_space<vmem>>, vector<1x16xf32>
    %add3A_35 = vector.broadcast %get3A_34 : vector<1x16xf32> to vector<1024x16xf32>
    %add3A_36 = arith.addf %dot_general3A_31, %add3A_35 : vector<1024x16xf32>
    %swap3A = arith.constant 0 : index
    %swap3A_37 = arith.constant 0 : index
    %swap3A_38 = vector.load %arg6[%swap3A, %swap3A_37] : memref<1024x16xf32, #tpu.memory_space<vmem>>, vector<1024x16xf32>
    tpu.vector_store %arg6[%swap3A, %swap3A_37], %add3A_36 {strides = array<i32>} : memref<1024x16xf32, #tpu.memory_space<vmem>>, vector<1024x16xf32>,
    return
  }
  func.func @transform_0(%arg0: i32) -> (i32, i32, i32) {
    %c0_i32 = arith.constant 0 : i32
    %c0_i32_0 = arith.constant 0 : i32
    %c0_i32_1 = arith.constant 0 : i32
    return %c0_i32, %arg0, %c0_i32_0 : i32, i32, i32
  }
  func.func @transform_1(%arg0: i32) -> (i32, i32, i32) {
    %c0_i32 = arith.constant 0 : i32
    %c0_i32_0 = arith.constant 0 : i32
    %c0_i32_1 = arith.constant 0 : i32
    return %c0_i32, %c0_i32_0, %arg0 : i32, i32, i32
  }
  func.func @transform_2(%arg0: i32) -> (i32, i32) {
    %c0_i32 = arith.constant 0 : i32
    %c0_i32_0 = arith.constant 0 : i32
    %c0_i32_1 = arith.constant 0 : i32
    return %c0_i32, %c0_i32_0 : i32, i32
  }
  func.func @transform_3(%arg0: i32) -> (i32, i32) {
    %c0_i32 = arith.constant 0 : i32
    %c0_i32_0 = arith.constant 0 : i32
    %c0_i32_1 = arith.constant 0 : i32
    return %c0_i32, %c0_i32_0 : i32, i32
  }
  func.func @transform_4(%arg0: i32) -> (i32, i32) {
    %c0_i32 = arith.constant 0 : i32
    %c0_i32_0 = arith.constant 0 : i32
    %c0_i32_1 = arith.constant 0 : i32
    return %c0_i32, %c0_i32_0 : i32, i32
  }
  func.func @transform_5(%arg0: i32) -> (i32, i32) {
    %c0_i32 = arith.constant 0 : i32
    %c0_i32_0 = arith.constant 0 : i32
    return %arg0, %c0_i32 : i32, i32
  }
}

</mosaic_0001>

<sc_bundles>
// kernel: kernel.6.cloned.1.call-start
scs
__scs_entry_jumppad:
0x0: {  	(pc) =	sbr.rel $0x88, $3  }
0x1: {  	(tag) =	ssettag $0x0;
	lr =	simm.s32 $0x1  }
0x2: {  	[smem:$0x3F9B] =	sst lr;
	_ =	strace $0xD0000000  }
0x3: {  	_ = 	snop  }
0x4: {  	_ = 	snop  }
0x5: {  	_ = 	snop  }
0x6: {  	_ = 	snop  }
0x7: {  	_ = 	snop  }
__scs_overlays_trampoline_lowered:
0x8: {  	[smem:$0x3FAA] =	sst s0  }
0x9: {  	[smem:$0x3FAB] =	sst s1  }
0xa: {  	[smem:$0x3FAC] =	sst s2  }
0xb: {  	[smem:$0x3FAD] =	sst s3  }
0xc: {  	[smem:$0x3FAE] =	sst s4  }
0xd: {  	[smem:$0x3FAF] =	sst s5  }
0xe: {  	[smem:$0x3FB0] =	sst s6  }
0xf: {  	[smem:$0x3FB1] =	sst s7  }
0x10: {  	[smem:$0x3FB2] =	sst s8  }
0x11: {  	[smem:$0x3FB3] =	sst s9;
	s0 =	simm.s32 @!p0 $0x0  }
0x12: {  	s1 =	sld [smem:$0x3F99];
	s0 =	simm.s32 @p0 $0x1  }
0x13: {  	[smem:$0x3FB4] =	sst s0;
	s0 =	simm.s32 @!p1 $0x0  }
0x14: {  	s2 =	sld [smem:$0x3F98];
	s0 =	simm.s32 @p1 $0x1  }
0x15: {  	[smem:$0x3FB5] =	sst s0;
	s0 =	simm.s32 @!p2 $0x0  }
0x16: {  	s3 =	sld [smem:$0x3FDB];
	s0 =	simm.s32 @p2 $0x1  }
0x17: {  	s4 =	simm.s32 $0x1BF5;
	[smem:$0x3FB7] =	sst s0  }
0x18: {  	s0 =	sld [smem:$0x3F9A];
	_ =	swait.ge [sflag:s4], $0x0  }
0x19: {  	s7 =	sld [smem:$0x3F9B]  }
0x1a: {  	s8 =	sadd.s32 $0xFFFFE003, lr  }
0x1b: {  	s9 =	sadd.s32 $0xFFFFFEF7, lr;
	s5 =	simm.s32 $0xFFFFFFFF;
	p2 =	slt.u32 s8, $0xFFFFF086  }
0x1c: {  	p1 =	slt.u32 s9, $0xF7A;
	s5 =	simm.s32 @!p2 $0x0  }
0x1d: {  	s5 =	simm.s32 @p1 $0x1;
	p0 =	seq.s32 s7, s2  }
0x1e: {  	s7 =	smul.u32 @!p0 $0xF7A, s2;
	p2 =	seq.s32 @!p0 s5, $0x0  }
0x1f: {  	s9 =	smul.u32 $0xF7A, s1;
	s8 =	simm.s32 @!p0 $0x1BF5;
	p2 =	por !p2, p0  }
0x20: {  	[sflag:s8] =	ssyncset.s32 @!p0 $0xFFFFF086;
	s6 =	sadd.s32 @!p0 s3, s7;
	s7 =	simm.s32 @!p0 $0x108  }
0x21: {  	s3 =	sadd.s32 s3, s9;
	s6 =	sadd.s32 @!p0 $0x88, s6;
	s7 =	simm.s32 @p2 $0x1082  }
0x22: {  	[simem:s7], [sflag:s8] =	dma.local @!p0 [hbm:s6], $0xF7A  }
0x23: {  	s9 =	sor.u32 $0xD0000000, s2;
	s6 =	simm.s32 $0x108;
	_ =	swait.ge @!p0 [sflag:s8], $0x0  }
0x24: {  	s3 =	sadd.s32 $0x88, s3;
	s6 =	simm.s32 @!p1 $0x1082;
	[sflag:s4] =	ssyncset.s32 $0xFFFFF086  }
0x25: {  	[simem:s6], [sflag:s4] =	dma.local [hbm:s3], $0xF7A  }
0x26: {  	[smem:$0x3F9B] =	sst s1;
	(tag) =	ssettag s2;
	_ =	strace s9  }
0x27: {  	s1 =	sld [smem:$0x3FAB]  }
0x28: {  	s2 =	sld [smem:$0x3FAC]  }
0x29: {  	s4 =	sld [smem:$0x3FAE]  }
0x2a: {  	p0 =	seq.s32 s5, $0x0;
	s5 =	sld [smem:$0x3FAF]  }
0x2b: {  	s6 =	sld [smem:$0x3FB0]  }
0x2c: {  	s7 =	sld [smem:$0x3FB1]  }
0x2d: {  	s3 =	simm.s32 $0x108;
	s8 =	sld [smem:$0x3FB2]  }
0x2e: {  	s3 =	simm.s32 @!p0 $0x1082;
	s9 =	sld [smem:$0x3FB3]  }
0x2f: {  	lr =	sadd.s32 s0, s3;
	s0 =	sld [smem:$0x3FAA]  }
0x30: {  	s3 =	sld [smem:$0x3FAD]  }
0x31: {  	[smem:$0x3FB6] =	sst s10  }
0x32: {  	s10 =	sld [smem:$0x3FB4];
	_ =	sdelay $0x3  }
0x33: {  	p0 =	seq.s32 s10, $0x1;
	s10 =	sld [smem:$0x3FB6];
	_ =	sdelay $0x3  }
0x34: {  	[smem:$0x3FB6] =	sst s10  }
0x35: {  	s10 =	sld [smem:$0x3FB5];
	_ =	sdelay $0x3  }
0x36: {  	p1 =	seq.s32 s10, $0x1;
	s10 =	sld [smem:$0x3FB6];
	_ =	sdelay $0x3  }
0x37: {  	[smem:$0x3FB6] =	sst s10  }
0x38: {  	s10 =	sld [smem:$0x3FB7]  }
0x39: {  	_ = 	snop;
	(pc) =	sbr.ind lr, $3  }
0x3a: {  	_ = 	snop  }
0x3b: {  	_ = 	snop  }
0x3c: {  	p2 =	seq.s32 s10, $0x1;
	s10 =	sld [smem:$0x3FB6]  }
0x3d: {  	_ =	shalt  }
0x3e: {  	_ =	shalt  }
0x3f: {  	_ =	shalt  }
0x40: {  	_ =	shalt  }
0x41: {  	_ =	shalt  }
0x42: {  	_ =	shalt  }
0x43: {  	_ =	shalt  }
0x44: {  	_ =	shalt  }
0x45: {  	_ =	shalt  }
0x46: {  	_ =	shalt  }
0x47: {  	_ =	shalt  }
0x48: {  	_ =	shalt  }
0x49: {  	_ =	shalt  }
0x4a: {  	_ =	shalt  }
0x4b: {  	_ =	shalt  }
0x4c: {  	_ =	shalt  }
0x4d: {  	_ =	shalt  }
0x4e: {  	_ =	shalt  }
0x4f: {  	_ =	shalt  }
0x50: {  	_ =	shalt  }
0x51: {  	_ =	shalt  }
0x52: {  	_ =	shalt  }
0x53: {  	_ =	shalt  }
0x54: {  	_ =	shalt  }
0x55: {  	_ =	shalt  }
0x56: {  	_ =	shalt  }
0x57: {  	_ =	shalt  }
0x58: {  	_ =	shalt  }
0x59: {  	_ =	shalt  }
0x5a: {  	_ =	shalt  }
0x5b: {  	_ =	shalt  }
0x5c: {  	_ =	shalt  }
0x5d: {  	_ =	shalt  }
0x5e: {  	_ =	shalt  }
0x5f: {  	_ =	shalt  }
0x60: {  	_ =	shalt  }
0x61: {  	_ =	shalt  }
0x62: {  	_ =	shalt  }
0x63: {  	_ =	shalt  }
0x64: {  	_ =	shalt  }
0x65: {  	_ =	shalt  }
0x66: {  	_ =	shalt  }
0x67: {  	_ =	shalt  }
0x68: {  	_ =	shalt  }
0x69: {  	_ =	shalt  }
0x6a: {  	_ =	shalt  }
0x6b: {  	_ =	shalt  }
0x6c: {  	_ =	shalt  }
0x6d: {  	_ =	shalt  }
0x6e: {  	_ =	shalt  }
0x6f: {  	_ =	shalt  }
0x70: {  	_ =	shalt  }
0x71: {  	_ =	shalt  }
0x72: {  	_ =	shalt  }
0x73: {  	_ =	shalt  }
0x74: {  	_ =	shalt  }
0x75: {  	_ =	shalt  }
0x76: {  	_ =	shalt  }
0x77: {  	_ =	shalt  }
0x78: {  	_ =	shalt  }
0x79: {  	_ =	shalt  }
0x7a: {  	_ =	shalt  }
0x7b: {  	_ =	shalt  }
0x7c: {  	_ =	shalt  }
0x7d: {  	_ =	shalt  }
0x7e: {  	_ =	shalt  }
0x7f: {  	_ =	shalt  }
0x80: {  	_ =	shalt  }
0x81: {  	_ =	shalt  }
0x82: {  	_ =	shalt  }
0x83: {  	_ =	shalt  }
0x84: {  	_ =	shalt  }
0x85: {  	_ =	shalt  }
0x86: {  	_ =	shalt  }
0x87: {  	_ =	shalt  }
.Lfunc_end0:
.L_simem_size_0:
called_computation_lowered:
.L_overlay_start_0:
0x88: {  	s2 =	sld [smem:$0x3FD9]  }
0x89: {  	s3 =	sld [smem:$0x3FFE];
	_ =	sdelay $0x1  }
0x8a: {  	s1 =	srdreg.scid  }
0x8b: {  	s0 =	sand.u32 $0x1, s1  }
0x8c: {  	s17 =	sshll.u32 s0, $0xA;
	s2 =	sadd.s32 s3, s2  }
0x8d: {  	s2 =	sadd.s32 s2, s17  }
0x8e: {  	[smem:$0x3FC2] =	sst s2  }
0x8f: {  	_ = 	snop  }
0x90: {  	s2 =	sld [smem:$0x3FD0];
	(tm) =	ssettm $0x1  }
0x91: {  	s18 =	sld [smem:$0x3FFB];
	_ =	sdelay $0x3  }
0x92: {  	_ =	strace s18  }
0x93: {  	s3 =	sld [smem:$0x3FFC];
	_ =	sdelay $0x3  }
0x94: {  	_ =	strace s3  }
0x95: {  	s3 =	sld [smem:$0x3FFD];
	_ =	sdelay $0x3  }
0x96: {  	_ =	strace s3  }
0x97: {  	_ =	strace $0x8FFFFFFF  }
0x98: {  	s19 =	sld [smem:$0x3FDB];
	_ =	sdelay $0x1  }
0x99: {  	s4 =	simm.s32 $_scs_section_size  }
0x9a: {  	s5 =	simm.s32 $_size__tile_overlayer_lowered;
	s6 =	simm.s32 $_tile_overlayer_lowered  }
0x9b: {  	s22 =	simm.s32 $0x1BFF;
	s21 =	sshll.u32 s6, $0x1;
	s3 =	sadd.s32 s4, s19  }
0x9c: {  	s7 =	simm.s32 $0x0;
	s20 =	sshll.u32 s5, $0x1;
	s5 =	sadd.s32 s21, s3  }
0x9d: {  	[timem:s7], [sflag:s22] =	dma.local [hbm:s5], s20  }
0x9e: {  	_ =	swait.ge [sflag:s22], s20  }
0x9f: {  	s4 =	ssub.s32 $0x0, s20;
	[sflag:s22] =	ssyncset.done $0x0  }
0xa0: {  	[sflag:s22] =	ssyncadd.s32 s4;
	_ =	sdelay $0x1  }
0xa1: {  	s23 =	simm.s32 $0x1B8B  }
0xa2: {  	_ =	swait.ge [sflag:s23], $0x1  }
0xa3: {  	[sflag:s23] =	ssyncset.done $0x0  }
0xa4: {  	s25 =	simm.s32 $0x1B8E;
	s24 =	sld [smem:$0x3FFE];
	[sflag:s23] =	ssyncadd.s32 $0xFFFFFFFF  }
0xa5: {  	s26 =	simm.s32 $execute0_lowered;
	[smem:$0x3FD2] =	sst s25  }
0xa6: {  	s5 =	sshll.u32 s26, $0x1;
	_ =	strace $0x80000046;
	[dreg:$0x1] =	wrdreg $0xFFFFFFFF  }
0xa7: {  	s28 =	simm.s32 $_size_execute0_lowered;
	s3 =	sadd.s32 s3, s5;
	[dreg:$0x0] =	wrdreg $0x0  }
0xa8: {  	s5 =	sshll.u32 s28, $0x1;
	[dreg:$0x2] =	wrdreg s3  }
0xa9: {  	[dreg:$0x3] =	wrdreg s5  }
0xaa: {  	[dreg:$0x4] =	wrdreg $0xC0  }
0xab: {  	_ =	task [dreg:s7], $0x5FFFF  }
0xac: {  	[dreg:$0x1] =	wrdreg $0xFFFFFFFF  }
0xad: {  	[dreg:$0x0] =	wrdreg $0x60  }
0xae: {  	[dreg:$0x2] =	wrdreg s24  }
0xaf: {  	[dreg:$0x3] =	wrdreg s2  }
0xb0: {  	[dreg:$0x4] =	wrdreg $0x50800  }
0xb1: {  	[dreg:$0x5] =	wrdreg $0x53000  }
0xb2: {  	[dreg:$0x6] =	wrdreg $0x9  }
0xb3: {  	_ =	task.clear_ibuf [dreg:s7], $0x7FFFF;
	_ =	strace $0x90000046  }
0xb4: {  	s29 =	simm.s32 $0x9;
	_ =	strace $0x80000048  }
0xb5: {  	_ =	swait.ge [sflag:s29], $0x1  }
0xb6: {  	[sflag:s29] =	ssyncadd.s32 $0xFFFFFFFF  }
0xb7: {  	_ =	strace $0x90000048  }
0xb8: {  	_ =	sfence  }
0xb9: {  	s30 =	sld [smem:$0x0];
	_ =	sdelay $0x2  }
0xba: {  	s31 =	sshll.u32 s1, $0xD;
	s1 =	sshrl.u32 s1, $0x2  }
0xbb: {  	s3 =	sand.u32 $0x4000, s31;
	s1 =	sadd.s32 s1, s30  }
0xbc: {  	s0 =	sor.u32 s3, s0;
	s1 =	sshll.u32 s1, $0x11  }
0xbd: {  	s0 =	sor.u32 s1, s0  }
0xbe: {  	s0 =	sadd.s32 $0x8F2B, s0  }
0xbf: {  	[sflag:s0] =	ssyncadd.remote.s32 $0x1  }
0xc0: {  	_ =	sfence.sel $0xFFFF  }
0xc1: {  	[dreg:$0x0] =	wrdreg $0xFFFFFFFF;
	(pc) =	sbr.abs _section_cstart, $3  }
0xc2: {  	[dreg:$0x1] =	wrdreg $0xFFFFFFFF  }
0xc3: {  	_ =	task.clear_ibuf [dreg:s7], $0x2FFFF;
	_ =	strace $0x9FFFFFFF  }
0xc4: {  	(tm) =	ssettm $0x7FFFFFFF  }
0xc5: {  	_ =	shalt  }
tec
execute0_lowered:
.L_overlay_start_1:
0x0: {  	(tag) =	ssettag $0x1  }
0x1: {  	s4 =	rddreg [dreg:$0x0]  }
0x2: {  	s0 =	srdreg.scid;
	s6 =	rddreg [dreg:$0x1]  }
0x3: {  	s18 =	stileid.u32;
	s1 =	rddreg [dreg:$0x2]  }
0x4: {  	s2 =	rddreg [dreg:$0x3];
	s3 =	simm.s32 $0x0;
	s12 =	simm.s32 $0x3  }
0x5: {  	s13 =	simm.s32 $0x2800;
	s14 =	simm.s32 $0x80;
	s15 =	simm.s32 $0x5000  }
0x6: {  	s16 =	simm.s32 $0x1;
	s17 =	simm.s32 $0x2;
	s20 =	simm.s32 $0x20  }
0x7: {  	s21 =	simm.s32 $0x10;
	s23 =	simm.s32 $0x0;
	s9 =	smul.u32 $0x500, s18  }
0x8: {  	s5 =	sand.u32 $0x1, s0;
	[smem:$0x7FF] =	sst s3;
	s10 =	smul.u32 $0x280, s18  }
0x9: {  	p0 =	sne.s32 s18, $0x0;
	s0 =	sshll.u32 s5, $0x4;
	s8 =	smul.u32 $0x5000, s5  }
0xa: {  	s5 =	ssub.s32 $0x2, s5;
	s11 =	sshrl.u32 @!p0 s2, $0x3;
	s0 =	sor.u32 s18, s0  }
0xb: {  	s31 =	sshrl.u32 s5, $0x1;
	s19 =	sadd.s32 s10, s1;
	s22 =	sadd.s32 s10, s2  }
0xc: {  	s10 =	sshrl.u32 @!p0 s1, $0x3;
	s18 =	sshll.u32 s18, $0x6;
	s7 =	smul.u32 $0x500, s0  }
0xd: {  	s0 =	rddreg [dreg:$0x4];
	_ =	strace $0x80000047;
	s8 =	sadd.s32 s9, s8  }
0xe: {  	s9 =	ssub.s32 s5, s31;
	s18 =	sor.u32 $0x1C03, s18;
	s19 =	sshrl.u32 s19, $0x3  }
0xf: {  	s22 =	sshrl.u32 s22, $0x3;
	s8 =	sshrl.u32 s8, $0x3;
	s9 =	smax.u32 s9, $0x1  }
0x10: {  	s7 =	sadd.s32 s7, s4;
	s4 =	sadd.s32 $0x15800, s4;
	s6 =	sadd.s32 s6, s8  }
0x11: {  	v0 =	vimm.f32 $1.000000000e+00;
	s5 =	sadd.s32 $0xB800, s7;
	s7 =	sadd.s32 $0x1800, s7;
	s8 =	sadd.s32 $0x10, s6  }
.LBB2_1:
0x12: {  	s24 =	simm.s32 @!p0 $0x1C03;
	s25 =	simm.s32 @!p0 $0x3  }
0x13: {  	[spmem:s10], [sflag:s24] =	dma.local @!p0 [hbm:s4], $0x500  }
0x14: {  	_ =	swait.ge @!p0 [sflag:s25], $0x500  }
0x15: {  	[sflag:s25] =	ssyncset.done @!p0 $0x0  }
0x16: {  	[sflag:s25] =	ssyncadd.s32 @!p0 $0xFFFFFB00  }
0x17: {  	[spmem:s11], [sflag:s24] =	dma.local @!p0 [hbm:s4], $0x500  }
0x18: {  	_ =	swait.ge @!p0 [sflag:s25], $0x500  }
0x19: {  	[sflag:s25] =	ssyncset.done @!p0 $0x0  }
0x1a: {  	[sflag:s25] =	ssyncadd.s32 @!p0 $0xFFFFFB00  }
0x1b: {  	[tilespmem:s3], [sflag:$0x3] =	stream.linear.gather [hbm4b:s5+s3], $0x2800, $0x38;
	[tilespmem:$0x5580] =	vst v63  }
0x1c: {  	_ =	swait.ge [sflag:s12], $0x2800  }
0x1d: {  	[sflag:s12] =	ssyncset.done $0x0  }
0x1e: {  	[sflag:s12] =	ssyncadd.s32 $0xFFFFD800  }
0x1f: {  	[tilespmem:s13], [sflag:$0x3] =	stream.linear.gather [hbm4b:s7+s3], $0x2800, $0x38;
	[tilespmem:$0x5580] =	vst v63  }
0x20: {  	_ =	swait.ge [sflag:s12], $0x2800  }
0x21: {  	[sflag:s12] =	ssyncset.done $0x0  }
0x22: {  	[sflag:s12] =	ssyncadd.s32 $0xFFFFD800  }
0x23: {  	[tilespmem:$0x5000] =	vst v0  }
0x24: {  	[tilespmem:$0x5010] =	vst v0  }
0x25: {  	[tilespmem:$0x5020] =	vst v0  }
0x26: {  	[tilespmem:$0x5030] =	vst v0  }
0x27: {  	[tilespmem:$0x5040] =	vst v0  }
0x28: {  	[tilespmem:$0x5050] =	vst v0  }
0x29: {  	[tilespmem:$0x5060] =	vst v0  }
0x2a: {  	[tilespmem:$0x5070] =	vst v0  }
0x2b: {  	s30 =	simm.s32 $0x0;
	[bflag:$0x0] =	sbarrier.arrive $0xFFFF  }
0x2c: {  	[spmem:s1] =	stream.indirect.scatter.add.f32 [tilespmem:s15], [sflag:$0x1], $0x1, s30, s14, $0xb8;
	[tilespmem:$0x5580] =	vst v63  }
0x2d: {  	s31 =	simm.s32 $0x2800  }
0x2e: {  	[spmem:s2] =	stream.indirect.scatter.add.f32 [tilespmem:s15], [sflag:$0x2], $0x1, s31, s14, $0xb8;
	[tilespmem:$0x5580] =	vst v63  }
0x2f: {  	_ =	swait.ge [sflag:s16], $0x80  }
0x30: {  	[sflag:s16] =	ssyncset.done $0x0  }
0x31: {  	[sflag:s16] =	ssyncadd.s32 $0xFFFFFF80  }
0x32: {  	_ =	swait.ge [sflag:s17], $0x80  }
0x33: {  	s24 =	simm.s32 $0x200;
	s25 =	simm.s32 $0x400;
	[sflag:s17] =	ssyncset.done $0x0  }
.LBB2_2:
0x34: {  	s26 =	sshra.s32 s24, $0x2  }
0x35: {  	[sflag:s17] =	ssyncadd.s32 $0xFFFFFF80;
	s24 =	smov.u32 s25;
	s28 =	sadd.s32 $0x200, s25  }
0x36: {  	[spmem:s1] =	stream.indirect.scatter.add.f32 [tilespmem:s15], [sflag:$0x1], $0x1, s26, s14, $0xb8;
	[tilespmem:$0x5580] =	vst v63  }
0x37: {  	p1 =	sne.s32 s25, $0x9E00;
	s25 =	sadd.s32 $0x2800, s26  }
0x38: {  	[spmem:s2] =	stream.indirect.scatter.add.f32 [tilespmem:s15], [sflag:$0x2], $0x1, s25, s14, $0xb8;
	[tilespmem:$0x5580] =	vst v63  }
.Ltmp0:
0x39: {  	_ =	swait.ge [sflag:s16], $0x80;
	(pc) =	sbr.rel @p1 .LBB2_2-.Ltmp0, $4  }
0x3a: {  	[sflag:s16] =	ssyncset.done $0x0  }
0x3b: {  	[sflag:s16] =	ssyncadd.s32 $0xFFFFFF80  }
0x3c: {  	_ =	swait.ge [sflag:s17], $0x80  }
0x3d: {  	s25 =	smov.u32 s28;
	[sflag:s17] =	ssyncset.done $0x0  }
0x3e: {  	s24 =	sshra.s32 s24, $0x2;
	[sflag:s17] =	ssyncadd.s32 $0xFFFFFF80  }
0x3f: {  	[spmem:s1] =	stream.indirect.scatter.add.f32 [tilespmem:s15], [sflag:$0x1], $0x1, s24, s14, $0xb8;
	[tilespmem:$0x5580] =	vst v63  }
0x40: {  	s24 =	sadd.s32 $0x2800, s24  }
0x41: {  	[spmem:s2] =	stream.indirect.scatter.add.f32 [tilespmem:s15], [sflag:$0x2], $0x1, s24, s14, $0xb8;
	[tilespmem:$0x5580] =	vst v63  }
0x42: {  	_ =	swait.ge [sflag:s16], $0x80  }
0x43: {  	[sflag:s16] =	ssyncset.done $0x0  }
0x44: {  	[sflag:s16] =	ssyncadd.s32 $0xFFFFFF80  }
0x45: {  	_ =	swait.ge [sflag:s17], $0x80  }
0x46: {  	[sflag:s17] =	ssyncset.done $0x0  }
0x47: {  	[sflag:s17] =	ssyncadd.s32 $0xFFFFFF80  }
0x48: {  	[bflag:$0x0] =	sbarrier.arrive $0xFFFF  }
0x49: {  	[hbm:s6@s20], [sflag:s18] =	dma.strided [spmem:s19@s21], $0x50, s16, $0x10   }
0x4a: {  	s23 =	sadd.s32 $0x1, s23;
	_ =	swait.ge [sflag:s12], $0x50  }
0x4b: {  	p1 =	sne.s32 s23, s9;
	[sflag:s12] =	ssyncset.done $0x0  }
.Ltmp1:
0x4c: {  	[sflag:s12] =	ssyncadd.s32 $0xFFFFFFB0;
	(pc) =	sbr.rel @p1 .LBB2_1-.Ltmp1, $4  }
0x4d: {  	[hbm:s8@s20], [sflag:s18] =	dma.strided [spmem:s22@s21], $0x50, s16, $0x10   }
0x4e: {  	_ =	swait.ge [sflag:s12], $0x50  }
0x4f: {  	[sflag:s12] =	ssyncset.done $0x0  }
0x50: {  	[sflag:s12] =	ssyncadd.s32 $0xFFFFFFB0  }
0x51: {  	_ =	sfence.sel $0x180000  }
0x52: {  	[bflag:$0x0] =	sbarrier.arrive $0xFFFF  }
0x53: {  	_ =	strace $0x90000047  }
0x54: {  	s0 =	sadd.s32 @!p0 $0x100000, s0;
	[bflag:$0x2] =	sbarrier.arrive $0xFFFF  }
0x55: {  	[sflag:s0] =	ssyncadd.tile.s32 @!p0 $0x1;
	_ =	shalt  }
.Lfunc_end2:
_tile_overlayer_lowered:
.L_overlay_start_2:
0x56: {  	(tag) =	ssettag $0x2  }
0x57: {  	s0 =	rddreg [dreg:$0x0];
	s2 =	stileid.u32  }
0x58: {  	s1 =	rddreg [dreg:$0x1];
	p0 =	sne.s32 s2, $0x0  }
0x59: {  	s3 =	rddreg [dreg:$0x2];
	[bflag:$0x3] =	sbarrier.arrive $0xFFFF;
	s2 =	simm.s32 @!p0 $0x1C03  }
0x5a: {  	[timem:s3], [sflag:s2] =	dma.local @!p0 [hbm:s0], s1  }
0x5b: {  	s0 =	simm.s32 @!p0 $0x3  }
0x5c: {  	_ =	swait.ge @!p0 [sflag:s0], s1  }
0x5d: {  	s1 =	ssub.s32 @!p0 $0x0, s1;
	[sflag:s0] =	ssyncset.done @!p0 $0x0  }
0x5e: {  	[sflag:s0] =	ssyncadd.s32 @!p0 s1  }
0x5f: {  	[bflag:$0x3] =	sbarrier.arrive $0xFFFF  }
0x60: {  	_ =	shalt  }

// kernel: kernel.9.cloned.1.call-start
scs
__scs_entry_jumppad:
0x0: {  	(pc) =	sbr.rel $0x88, $3  }
0x1: {  	(tag) =	ssettag $0x0;
	lr =	simm.s32 $0x1  }
0x2: {  	[smem:$0x3F9B] =	sst lr;
	_ =	strace $0xD0000000  }
0x3: {  	_ = 	snop  }
0x4: {  	_ = 	snop  }
0x5: {  	_ = 	snop  }
0x6: {  	_ = 	snop  }
0x7: {  	_ = 	snop  }
__scs_overlays_trampoline_lowered:
0x8: {  	[smem:$0x3FAA] =	sst s0  }
0x9: {  	[smem:$0x3FAB] =	sst s1  }
0xa: {  	[smem:$0x3FAC] =	sst s2  }
0xb: {  	[smem:$0x3FAD] =	sst s3  }
0xc: {  	[smem:$0x3FAE] =	sst s4  }
0xd: {  	[smem:$0x3FAF] =	sst s5  }
0xe: {  	[smem:$0x3FB0] =	sst s6  }
0xf: {  	[smem:$0x3FB1] =	sst s7  }
0x10: {  	[smem:$0x3FB2] =	sst s8  }
0x11: {  	[smem:$0x3FB3] =	sst s9;
	s0 =	simm.s32 @!p0 $0x0  }
0x12: {  	s1 =	sld [smem:$0x3F99];
	s0 =	simm.s32 @p0 $0x1  }
0x13: {  	[smem:$0x3FB4] =	sst s0;
	s0 =	simm.s32 @!p1 $0x0  }
0x14: {  	s2 =	sld [smem:$0x3F98];
	s0 =	simm.s32 @p1 $0x1  }
0x15: {  	[smem:$0x3FB5] =	sst s0;
	s0 =	simm.s32 @!p2 $0x0  }
0x16: {  	s3 =	sld [smem:$0x3FDB];
	s0 =	simm.s32 @p2 $0x1  }
0x17: {  	s4 =	simm.s32 $0x1BF5;
	[smem:$0x3FB7] =	sst s0  }
0x18: {  	s0 =	sld [smem:$0x3F9A];
	_ =	swait.ge [sflag:s4], $0x0  }
0x19: {  	s7 =	sld [smem:$0x3F9B]  }
0x1a: {  	s8 =	sadd.s32 $0xFFFFE003, lr  }
0x1b: {  	s9 =	sadd.s32 $0xFFFFFEF7, lr;
	s5 =	simm.s32 $0xFFFFFFFF;
	p2 =	slt.u32 s8, $0xFFFFF086  }
0x1c: {  	p1 =	slt.u32 s9, $0xF7A;
	s5 =	simm.s32 @!p2 $0x0  }
0x1d: {  	s5 =	simm.s32 @p1 $0x1;
	p0 =	seq.s32 s7, s2  }
0x1e: {  	s7 =	smul.u32 @!p0 $0xF7A, s2;
	p2 =	seq.s32 @!p0 s5, $0x0  }
0x1f: {  	s9 =	smul.u32 $0xF7A, s1;
	s8 =	simm.s32 @!p0 $0x1BF5;
	p2 =	por !p2, p0  }
0x20: {  	[sflag:s8] =	ssyncset.s32 @!p0 $0xFFFFF086;
	s6 =	sadd.s32 @!p0 s3, s7;
	s7 =	simm.s32 @!p0 $0x108  }
0x21: {  	s3 =	sadd.s32 s3, s9;
	s6 =	sadd.s32 @!p0 $0x88, s6;
	s7 =	simm.s32 @p2 $0x1082  }
0x22: {  	[simem:s7], [sflag:s8] =	dma.local @!p0 [hbm:s6], $0xF7A  }
0x23: {  	s9 =	sor.u32 $0xD0000000, s2;
	s6 =	simm.s32 $0x108;
	_ =	swait.ge @!p0 [sflag:s8], $0x0  }
0x24: {  	s3 =	sadd.s32 $0x88, s3;
	s6 =	simm.s32 @!p1 $0x1082;
	[sflag:s4] =	ssyncset.s32 $0xFFFFF086  }
0x25: {  	[simem:s6], [sflag:s4] =	dma.local [hbm:s3], $0xF7A  }
0x26: {  	[smem:$0x3F9B] =	sst s1;
	(tag) =	ssettag s2;
	_ =	strace s9  }
0x27: {  	s1 =	sld [smem:$0x3FAB]  }
0x28: {  	s2 =	sld [smem:$0x3FAC]  }
0x29: {  	s4 =	sld [smem:$0x3FAE]  }
0x2a: {  	p0 =	seq.s32 s5, $0x0;
	s5 =	sld [smem:$0x3FAF]  }
0x2b: {  	s6 =	sld [smem:$0x3FB0]  }
0x2c: {  	s7 =	sld [smem:$0x3FB1]  }
0x2d: {  	s3 =	simm.s32 $0x108;
	s8 =	sld [smem:$0x3FB2]  }
0x2e: {  	s3 =	simm.s32 @!p0 $0x1082;
	s9 =	sld [smem:$0x3FB3]  }
0x2f: {  	lr =	sadd.s32 s0, s3;
	s0 =	sld [smem:$0x3FAA]  }
0x30: {  	s3 =	sld [smem:$0x3FAD]  }
0x31: {  	[smem:$0x3FB6] =	sst s10  }
0x32: {  	s10 =	sld [smem:$0x3FB4];
	_ =	sdelay $0x3  }
0x33: {  	p0 =	seq.s32 s10, $0x1;
	s10 =	sld [smem:$0x3FB6];
	_ =	sdelay $0x3  }
0x34: {  	[smem:$0x3FB6] =	sst s10  }
0x35: {  	s10 =	sld [smem:$0x3FB5];
	_ =	sdelay $0x3  }
0x36: {  	p1 =	seq.s32 s10, $0x1;
	s10 =	sld [smem:$0x3FB6];
	_ =	sdelay $0x3  }
0x37: {  	[smem:$0x3FB6] =	sst s10  }
0x38: {  	s10 =	sld [smem:$0x3FB7]  }
0x39: {  	_ = 	snop;
	(pc) =	sbr.ind lr, $3  }
0x3a: {  	_ = 	snop  }
0x3b: {  	_ = 	snop  }
0x3c: {  	p2 =	seq.s32 s10, $0x1;
	s10 =	sld [smem:$0x3FB6]  }
0x3d: {  	_ =	shalt  }
0x3e: {  	_ =	shalt  }
0x3f: {  	_ =	shalt  }
0x40: {  	_ =	shalt  }
0x41: {  	_ =	shalt  }
0x42: {  	_ =	shalt  }
0x43: {  	_ =	shalt  }
0x44: {  	_ =	shalt  }
0x45: {  	_ =	shalt  }
0x46: {  	_ =	shalt  }
0x47: {  	_ =	shalt  }
0x48: {  	_ =	shalt  }
0x49: {  	_ =	shalt  }
0x4a: {  	_ =	shalt  }
0x4b: {  	_ =	shalt  }
0x4c: {  	_ =	shalt  }
0x4d: {  	_ =	shalt  }
0x4e: {  	_ =	shalt  }
0x4f: {  	_ =	shalt  }
0x50: {  	_ =	shalt  }
0x51: {  	_ =	shalt  }
0x52: {  	_ =	shalt  }
0x53: {  	_ =	shalt  }
0x54: {  	_ =	shalt  }
0x55: {  	_ =	shalt  }
0x56: {  	_ =	shalt  }
0x57: {  	_ =	shalt  }
0x58: {  	_ =	shalt  }
0x59: {  	_ =	shalt  }
0x5a: {  	_ =	shalt  }
0x5b: {  	_ =	shalt  }
0x5c: {  	_ =	shalt  }
0x5d: {  	_ =	shalt  }
0x5e: {  	_ =	shalt  }
0x5f: {  	_ =	shalt  }
0x60: {  	_ =	shalt  }
0x61: {  	_ =	shalt  }
0x62: {  	_ =	shalt  }
0x63: {  	_ =	shalt  }
0x64: {  	_ =	shalt  }
0x65: {  	_ =	shalt  }
0x66: {  	_ =	shalt  }
0x67: {  	_ =	shalt  }
0x68: {  	_ =	shalt  }
0x69: {  	_ =	shalt  }
0x6a: {  	_ =	shalt  }
0x6b: {  	_ =	shalt  }
0x6c: {  	_ =	shalt  }
0x6d: {  	_ =	shalt  }
0x6e: {  	_ =	shalt  }
0x6f: {  	_ =	shalt  }
0x70: {  	_ =	shalt  }
0x71: {  	_ =	shalt  }
0x72: {  	_ =	shalt  }
0x73: {  	_ =	shalt  }
0x74: {  	_ =	shalt  }
0x75: {  	_ =	shalt  }
0x76: {  	_ =	shalt  }
0x77: {  	_ =	shalt  }
0x78: {  	_ =	shalt  }
0x79: {  	_ =	shalt  }
0x7a: {  	_ =	shalt  }
0x7b: {  	_ =	shalt  }
0x7c: {  	_ =	shalt  }
0x7d: {  	_ =	shalt  }
0x7e: {  	_ =	shalt  }
0x7f: {  	_ =	shalt  }
0x80: {  	_ =	shalt  }
0x81: {  	_ =	shalt  }
0x82: {  	_ =	shalt  }
0x83: {  	_ =	shalt  }
0x84: {  	_ =	shalt  }
0x85: {  	_ =	shalt  }
0x86: {  	_ =	shalt  }
0x87: {  	_ =	shalt  }
.Lfunc_end0:
.L_simem_size_0:
called_computation.1_lowered:
.L_overlay_start_0:
0x88: {  	s2 =	sld [smem:$0x3FD9]  }
0x89: {  	s3 =	sld [smem:$0x3FFE];
	_ =	sdelay $0x1  }
0x8a: {  	s1 =	srdreg.scid  }
0x8b: {  	s0 =	sand.u32 $0x1, s1  }
0x8c: {  	s16 =	sshll.u32 s0, $0xA;
	s2 =	sadd.s32 s3, s2  }
0x8d: {  	s2 =	sadd.s32 s2, s16  }
0x8e: {  	[smem:$0x3FC2] =	sst s2  }
0x8f: {  	_ = 	snop  }
0x90: {  	(tm) =	ssettm $0x1  }
0x91: {  	s17 =	sld [smem:$0x3FFB];
	_ =	sdelay $0x3  }
0x92: {  	_ =	strace s17  }
0x93: {  	s2 =	sld [smem:$0x3FFC];
	_ =	sdelay $0x3  }
0x94: {  	_ =	strace s2  }
0x95: {  	s2 =	sld [smem:$0x3FFD];
	_ =	sdelay $0x3  }
0x96: {  	_ =	strace s2  }
0x97: {  	_ =	strace $0x8FFFFFFF  }
0x98: {  	s18 =	sld [smem:$0x3FDB];
	_ =	sdelay $0x1  }
0x99: {  	s19 =	simm.s32 $_scs_section_size  }
0x9a: {  	s4 =	simm.s32 $_size__tile_overlayer_lowered;
	s5 =	simm.s32 $_tile_overlayer_lowered  }
0x9b: {  	s22 =	simm.s32 $0x1BFF;
	s21 =	sshll.u32 s5, $0x1;
	s2 =	sadd.s32 s19, s18  }
0x9c: {  	s6 =	simm.s32 $0x0;
	s20 =	sshll.u32 s4, $0x1;
	s4 =	sadd.s32 s21, s2  }
0x9d: {  	[timem:s6], [sflag:s22] =	dma.local [hbm:s4], s20  }
0x9e: {  	_ =	swait.ge [sflag:s22], s20  }
0x9f: {  	s3 =	ssub.s32 $0x0, s20;
	[sflag:s22] =	ssyncset.done $0x0  }
0xa0: {  	[sflag:s22] =	ssyncadd.s32 s3;
	_ =	sdelay $0x1  }
0xa1: {  	s23 =	simm.s32 $0x1B8B  }
0xa2: {  	_ =	swait.ge [sflag:s23], $0x1  }
0xa3: {  	[sflag:s23] =	ssyncset.done $0x0  }
0xa4: {  	s25 =	simm.s32 $0x1B8E;
	s24 =	sld [smem:$0x3FFE];
	[sflag:s23] =	ssyncadd.s32 $0xFFFFFFFF  }
0xa5: {  	s26 =	simm.s32 $execute0_lowered;
	[smem:$0x3FD2] =	sst s25  }
0xa6: {  	s4 =	sshll.u32 s26, $0x1;
	_ =	strace $0x80000049;
	[dreg:$0x1] =	wrdreg $0xFFFFFFFF  }
0xa7: {  	s28 =	simm.s32 $_size_execute0_lowered;
	s2 =	sadd.s32 s2, s4;
	[dreg:$0x0] =	wrdreg $0x0  }
0xa8: {  	s4 =	sshll.u32 s28, $0x1;
	[dreg:$0x2] =	wrdreg s2  }
0xa9: {  	[dreg:$0x3] =	wrdreg s4  }
0xaa: {  	[dreg:$0x4] =	wrdreg $0xC0  }
0xab: {  	_ =	task [dreg:s6], $0x5FFFF  }
0xac: {  	[dreg:$0x1] =	wrdreg $0xFFFFFFFF  }
0xad: {  	[dreg:$0x0] =	wrdreg $0x60  }
0xae: {  	[dreg:$0x2] =	wrdreg s24  }
0xaf: {  	[dreg:$0x3] =	wrdreg $0xA8000  }
0xb0: {  	[dreg:$0x4] =	wrdreg $0x9  }
0xb1: {  	_ =	task.clear_ibuf [dreg:s6], $0x5FFFF;
	_ =	strace $0x90000049  }
0xb2: {  	s29 =	simm.s32 $0x9;
	_ =	strace $0x8000004B  }
0xb3: {  	_ =	swait.ge [sflag:s29], $0x1  }
0xb4: {  	[sflag:s29] =	ssyncadd.s32 $0xFFFFFFFF  }
0xb5: {  	_ =	strace $0x9000004B  }
0xb6: {  	_ =	sfence  }
0xb7: {  	s30 =	sld [smem:$0x0];
	_ =	sdelay $0x2  }
0xb8: {  	s31 =	sshll.u32 s1, $0xD;
	s1 =	sshrl.u32 s1, $0x2  }
0xb9: {  	s3 =	sand.u32 $0x4000, s31;
	s1 =	sadd.s32 s1, s30  }
0xba: {  	s0 =	sor.u32 s3, s0;
	s1 =	sshll.u32 s1, $0x11  }
0xbb: {  	s0 =	sor.u32 s1, s0  }
0xbc: {  	s0 =	sadd.s32 $0x8F2B, s0  }
0xbd: {  	[sflag:s0] =	ssyncadd.remote.s32 $0x1  }
0xbe: {  	_ =	sfence.sel $0xFFFF  }
0xbf: {  	[dreg:$0x0] =	wrdreg $0xFFFFFFFF;
	(pc) =	sbr.abs _section_cstart, $3  }
0xc0: {  	[dreg:$0x1] =	wrdreg $0xFFFFFFFF  }
0xc1: {  	_ =	task.clear_ibuf [dreg:s6], $0x2FFFF;
	_ =	strace $0x9FFFFFFF  }
0xc2: {  	(tm) =	ssettm $0x7FFFFFFF  }
0xc3: {  	_ =	shalt  }
tec
execute0_lowered:
.L_overlay_start_1:
0x0: {  	(tag) =	ssettag $0x1  }
0x1: {  	s6 =	rddreg [dreg:$0x0]  }
0x2: {  	s1 =	rddreg [dreg:$0x1];
	s2 =	srdreg.scid  }
0x3: {  	s0 =	rddreg [dreg:$0x2];
	s3 =	simm.s32 $0x0;
	s17 =	simm.s32 $0x3  }
0x4: {  	s18 =	simm.s32 $0x1400;
	s19 =	simm.s32 $0x80;
	s20 =	simm.s32 $0x1  }
0x5: {  	s21 =	simm.s32 $0x6800;
	s22 =	simm.s32 $0x2;
	s23 =	simm.s32 $0x1380  }
0x6: {  	s24 =	simm.s32 $0x2700;
	s5 =	sand.u32 $0x1, s2;
	s2 =	stileid.u32  }
0x7: {  	s25 =	simm.s32 $0x2780;
	[smem:$0x7FF] =	sst s3;
	s7 =	smul.u32 $0x140000, s5  }
0x8: {  	s4 =	sadd.s32 $0x15800, s6;
	s12 =	sadd.s32 $0xB800, s6;
	s8 =	smul.u32 $0x14000, s2  }
0x9: {  	s13 =	sadd.s32 $0x1800, s6;
	s29 =	smul.u32 $0x50000, s2;
	s9 =	sshll.u32 s5, $0x4  }
0xa: {  	_ =	strace $0x8000004A;
	s10 =	ssub.s32 $0x2, s5;
	s9 =	sor.u32 s2, s9  }
0xb: {  	s31 =	sshrl.u32 s10, $0x1;
	s7 =	sadd.s32 s8, s7;
	s30 =	sshrl.u32 s29, $0x2  }
0xc: {  	s9 =	smul.u32 $0x2800, s9;
	s15 =	ssub.s32 s10, s31;
	s7 =	sshrl.u32 s7, $0x3  }
0xd: {  	s5 =	sadd.s32 s30, s1;
	s15 =	smax.u32 s15, $0x1;
	s14 =	sadd.s32 s7, s6  }
0xe: {  	s6 =	sadd.s32 $0x4000, s5;
	s7 =	sadd.s32 $0x8000, s5;
	s11 =	sshrl.u32 s9, $0x3  }
0xf: {  	s8 =	sadd.s32 $0xC000, s5;
	s9 =	sadd.s32 $0x10000, s5;
	s10 =	sadd.s32 s12, s11  }
0x10: {  	s16 =	sadd.s32 $0x280, s11;
	s11 =	sadd.s32 s13, s11;
	s14 =	sadd.s32 $0x3D800, s14  }
0x11: {  	v0 =	vimm.f32 $0.0e+00;
	s12 =	sadd.s32 s12, s16;
	s13 =	sadd.s32 s13, s16;
	s16 =	simm.s32 $0x2800  }
.LBB2_1:
0x12: {  	s26 =	simm.s32 $0x0;
	s28 =	simm.s32 $0x200  }
.LBB2_2:
0x13: {  	p0 =	sne.s32 s28, $0xFE00;
	[tilespmem:s26+$0x2870] =	vst v0  }
0x14: {  	[tilespmem:s26+$0x2800] =	vst v0  }
0x15: {  	[tilespmem:s26+$0x2810] =	vst v0  }
.Ltmp0:
0x16: {  	[tilespmem:s26+$0x2820] =	vst v0;
	(pc) =	sbr.rel @p0 .LBB2_2-.Ltmp0, $4  }
0x17: {  	[tilespmem:s26+$0x2830] =	vst v0  }
0x18: {  	[tilespmem:s26+$0x2840] =	vst v0  }
0x19: {  	[tilespmem:s26+$0x2850] =	vst v0  }
0x1a: {  	[tilespmem:s26+$0x2860] =	vst v0;
	s26 =	sshra.s32 s28, $0x2;
	s28 =	sadd.s32 $0x200, s28  }
0x1b: {  	[tilespmem:s26+$0x2870] =	vst v0  }
0x1c: {  	[tilespmem:s26+$0x2800] =	vst v0  }
0x1d: {  	[tilespmem:s26+$0x2810] =	vst v0  }
0x1e: {  	[tilespmem:s26+$0x2820] =	vst v0  }
0x1f: {  	[tilespmem:s26+$0x2830] =	vst v0  }
0x20: {  	[tilespmem:s26+$0x2840] =	vst v0  }
0x21: {  	[tilespmem:s26+$0x2850] =	vst v0  }
0x22: {  	[tilespmem:s26+$0x2860] =	vst v0  }
0x23: {  	[spmem:s5] =	stream.linear.scatter [tilespmem:s16], [sflag:$0x3], $0x4000, $0x38;
	[tilespmem:$0x1E800] =	vst v63  }
0x24: {  	_ =	swait.ge [sflag:s17], $0x4000  }
0x25: {  	[sflag:s17] =	ssyncset.done $0x0  }
0x26: {  	[sflag:s17] =	ssyncadd.s32 $0xFFFFC000  }
0x27: {  	[spmem:s6] =	stream.linear.scatter [tilespmem:s16], [sflag:$0x3], $0x4000, $0x38;
	[tilespmem:$0x1E800] =	vst v63  }
0x28: {  	_ =	swait.ge [sflag:s17], $0x4000  }
0x29: {  	[sflag:s17] =	ssyncset.done $0x0  }
0x2a: {  	[sflag:s17] =	ssyncadd.s32 $0xFFFFC000  }
0x2b: {  	[spmem:s7] =	stream.linear.scatter [tilespmem:s16], [sflag:$0x3], $0x4000, $0x38;
	[tilespmem:$0x1E800] =	vst v63  }
0x2c: {  	_ =	swait.ge [sflag:s17], $0x4000  }
0x2d: {  	[sflag:s17] =	ssyncset.done $0x0  }
0x2e: {  	[sflag:s17] =	ssyncadd.s32 $0xFFFFC000  }
0x2f: {  	[spmem:s8] =	stream.linear.scatter [tilespmem:s16], [sflag:$0x3], $0x4000, $0x38;
	[tilespmem:$0x1E800] =	vst v63  }
0x30: {  	_ =	swait.ge [sflag:s17], $0x4000  }
0x31: {  	[sflag:s17] =	ssyncset.done $0x0  }
0x32: {  	[sflag:s17] =	ssyncadd.s32 $0xFFFFC000  }
0x33: {  	[spmem:s9] =	stream.linear.scatter [tilespmem:s16], [sflag:$0x3], $0x4000, $0x38;
	[tilespmem:$0x1E800] =	vst v63  }
0x34: {  	_ =	swait.ge [sflag:s17], $0x4000  }
0x35: {  	[sflag:s17] =	ssyncset.done $0x0  }
0x36: {  	[sflag:s17] =	ssyncadd.s32 $0xFFFFC000  }
0x37: {  	s31 =	simm.s32 $0x0;
	[bflag:$0x0] =	sbarrier.arrive $0xFFFF  }
0x38: {  	[tilespmem:s31], [sflag:$0x3] =	stream.linear.gather [hbm4b:s10+s31], $0x1400, $0x38;
	[tilespmem:$0x1E800] =	vst v63  }
0x39: {  	_ =	swait.ge [sflag:s17], $0x1400  }
0x3a: {  	[sflag:s17] =	ssyncset.done $0x0  }
0x3b: {  	[sflag:s17] =	ssyncadd.s32 $0xFFFFEC00  }
0x3c: {  	[tilespmem:s18], [sflag:$0x3] =	stream.linear.gather [hbm4b:s11+s31], $0x1400, $0x38;
	[tilespmem:$0x1E800] =	vst v63  }
0x3d: {  	_ =	swait.ge [sflag:s17], $0x1400  }
0x3e: {  	[sflag:s17] =	ssyncset.done $0x0  }
0x3f: {  	[sflag:s17] =	ssyncadd.s32 $0xFFFFEC00  }
0x40: {  	[tilespmem:s16], [sflag:$0x1] =	stream.indirect.gather [hbm4b:s4+s19], $0x80, s31, s19, $0xb8;
	[tilespmem:$0x1E800] =	vst v63  }
0x41: {  	_ =	swait.ge [sflag:s20], $0x4000  }
0x42: {  	[sflag:s20] =	ssyncset.done $0x0  }
0x43: {  	s28 =	simm.s32 $0x80;
	[sflag:s20] =	ssyncadd.s32 $0xFFFFC000  }
0x44: {  	[tilespmem:s21], [sflag:$0x2] =	stream.indirect.gather [hbm4b:s4+s19], $0x80, s28, s19, $0xb8;
	[tilespmem:$0x1E800] =	vst v63  }
0x45: {  	s29 =	simm.s32 $0x1400  }
0x46: {  	[spmem:s1] =	stream.indirect.scatter.add.f32 [tilespmem:s16], [sflag:$0x3], $0x80, s29, s19, $0xb8;
	[tilespmem:$0x1E800] =	vst v63  }
0x47: {  	_ =	swait.ge [sflag:s17], $0x4000  }
0x48: {  	[sflag:s17] =	ssyncset.done $0x0  }
0x49: {  	[sflag:s17] =	ssyncadd.s32 $0xFFFFC000  }
0x4a: {  	_ =	swait.ge [sflag:s22], $0x4000  }
0x4b: {  	[sflag:s22] =	ssyncset.done $0x0  }
0x4c: {  	s30 =	simm.s32 $0x100;
	[sflag:s22] =	ssyncadd.s32 $0xFFFFC000  }
0x4d: {  	[tilespmem:s16], [sflag:$0x1] =	stream.indirect.gather [hbm4b:s4+s19], $0x80, s30, s19, $0xb8;
	[tilespmem:$0x1E800] =	vst v63  }
0x4e: {  	s31 =	simm.s32 $0x1480  }
0x4f: {  	[spmem:s1] =	stream.indirect.scatter.add.f32 [tilespmem:s21], [sflag:$0x3], $0x80, s31, s19, $0xb8;
	[tilespmem:$0x1E800] =	vst v63  }
0x50: {  	_ =	swait.ge [sflag:s17], $0x4000  }
0x51: {  	s26 =	simm.s32 $0x400;
	[sflag:s17] =	ssyncset.done $0x0  }
.LBB2_4:
0x52: {  	p0 =	sne.s32 s26, $0x4800  }
0x53: {  	[sflag:s17] =	ssyncadd.s32 $0xFFFFC000;
	s28 =	smov.u32 s26;
	s26 =	sadd.s32 $0x400, s26  }
0x54: {  	_ = 	snop  }
0x55: {  	_ =	swait.ge [sflag:s20], $0x4000  }
0x56: {  	s28 =	sshra.s32 s28, $0x2;
	[sflag:s20] =	ssyncset.done $0x0  }
0x57: {  	s29 =	sadd.s32 $0x80, s28;
	[sflag:s20] =	ssyncadd.s32 $0xFFFFC000  }
0x58: {  	[tilespmem:s21], [sflag:$0x2] =	stream.indirect.gather [hbm4b:s4+s19], $0x80, s29, s19, $0xb8;
	[tilespmem:$0x1E800] =	vst v63  }
0x59: {  	s29 =	sadd.s32 $0x1400, s28  }
0x5a: {  	[spmem:s1] =	stream.indirect.scatter.add.f32 [tilespmem:s16], [sflag:$0x3], $0x80, s29, s19, $0xb8;
	[tilespmem:$0x1E800] =	vst v63  }
0x5b: {  	_ =	swait.ge [sflag:s17], $0x4000  }
0x5c: {  	[sflag:s17] =	ssyncset.done $0x0  }
0x5d: {  	[sflag:s17] =	ssyncadd.s32 $0xFFFFC000  }
0x5e: {  	_ =	swait.ge [sflag:s22], $0x4000  }
0x5f: {  	[sflag:s22] =	ssyncset.done $0x0  }
0x60: {  	s29 =	sadd.s32 $0x100, s28;
	[sflag:s22] =	ssyncadd.s32 $0xFFFFC000  }
0x61: {  	[tilespmem:s16], [sflag:$0x1] =	stream.indirect.gather [hbm4b:s4+s19], $0x80, s29, s19, $0xb8;
	[tilespmem:$0x1E800] =	vst v63  }
.Ltmp1:
0x62: {  	_ = 	snop;
	(pc) =	sbr.rel @p0 .LBB2_4-.Ltmp1, $4  }
0x63: {  	s28 =	sadd.s32 $0x1480, s28  }
0x64: {  	[spmem:s1] =	stream.indirect.scatter.add.f32 [tilespmem:s21], [sflag:$0x3], $0x80, s28, s19, $0xb8;
	[tilespmem:$0x1E800] =	vst v63  }
0x65: {  	_ =	swait.ge [sflag:s17], $0x4000  }
0x66: {  	[sflag:s17] =	ssyncset.done $0x0  }
0x67: {  	[sflag:s17] =	ssyncadd.s32 $0xFFFFC000  }
0x68: {  	_ =	swait.ge [sflag:s20], $0x4000  }
0x69: {  	[sflag:s20] =	ssyncset.done $0x0  }
0x6a: {  	[sflag:s20] =	ssyncadd.s32 $0xFFFFC000  }
0x6b: {  	[tilespmem:s21], [sflag:$0x2] =	stream.indirect.gather [hbm4b:s4+s19], $0x80, s23, s19, $0xb8;
	[tilespmem:$0x1E800] =	vst v63  }
0x6c: {  	_ = 	snop  }
0x6d: {  	[spmem:s1] =	stream.indirect.scatter.add.f32 [tilespmem:s16], [sflag:$0x3], $0x80, s24, s19, $0xb8;
	[tilespmem:$0x1E800] =	vst v63  }
0x6e: {  	_ =	swait.ge [sflag:s17], $0x4000  }
0x6f: {  	[sflag:s17] =	ssyncset.done $0x0  }
0x70: {  	[sflag:s17] =	ssyncadd.s32 $0xFFFFC000  }
0x71: {  	_ =	swait.ge [sflag:s22], $0x4000  }
0x72: {  	[sflag:s22] =	ssyncset.done $0x0  }
0x73: {  	[sflag:s22] =	ssyncadd.s32 $0xFFFFC000  }
0x74: {  	[spmem:s1] =	stream.indirect.scatter.add.f32 [tilespmem:s21], [sflag:$0x3], $0x80, s25, s19, $0xb8;
	[tilespmem:$0x1E800] =	vst v63  }
0x75: {  	_ =	swait.ge [sflag:s17], $0x4000  }
0x76: {  	[sflag:s17] =	ssyncset.done $0x0  }
0x77: {  	s26 =	simm.s32 $0x0;
	[sflag:s17] =	ssyncadd.s32 $0xFFFFC000  }
0x78: {  	[tilespmem:s26], [sflag:$0x3] =	stream.linear.gather [hbm4b:s12+s26], $0x1400, $0x38;
	[tilespmem:$0x1E800] =	vst v63  }
0x79: {  	_ =	swait.ge [sflag:s17], $0x1400  }
0x7a: {  	[sflag:s17] =	ssyncset.done $0x0  }
0x7b: {  	[sflag:s17] =	ssyncadd.s32 $0xFFFFEC00  }
0x7c: {  	[tilespmem:s18], [sflag:$0x3] =	stream.linear.gather [hbm4b:s13+s26], $0x1400, $0x38;
	[tilespmem:$0x1E800] =	vst v63  }
0x7d: {  	_ =	swait.ge [sflag:s17], $0x1400  }
0x7e: {  	[sflag:s17] =	ssyncset.done $0x0  }
0x7f: {  	[sflag:s17] =	ssyncadd.s32 $0xFFFFEC00  }
0x80: {  	[tilespmem:s16], [sflag:$0x1] =	stream.indirect.gather [hbm4b:s4+s19], $0x80, s26, s19, $0xb8;
	[tilespmem:$0x1E800] =	vst v63  }
0x81: {  	_ =	swait.ge [sflag:s20], $0x4000  }
0x82: {  	[sflag:s20] =	ssyncset.done $0x0  }
0x83: {  	s28 =	simm.s32 $0x80;
	[sflag:s20] =	ssyncadd.s32 $0xFFFFC000  }
0x84: {  	[tilespmem:s21], [sflag:$0x2] =	stream.indirect.gather [hbm4b:s4+s19], $0x80, s28, s19, $0xb8;
	[tilespmem:$0x1E800] =	vst v63  }
0x85: {  	s29 =	simm.s32 $0x1400  }
0x86: {  	[spmem:s1] =	stream.indirect.scatter.add.f32 [tilespmem:s16], [sflag:$0x3], $0x80, s29, s19, $0xb8;
	[tilespmem:$0x1E800] =	vst v63  }
0x87: {  	_ =	swait.ge [sflag:s17], $0x4000  }
0x88: {  	[sflag:s17] =	ssyncset.done $0x0  }
0x89: {  	[sflag:s17] =	ssyncadd.s32 $0xFFFFC000  }
0x8a: {  	_ =	swait.ge [sflag:s22], $0x4000  }
0x8b: {  	[sflag:s22] =	ssyncset.done $0x0  }
0x8c: {  	s30 =	simm.s32 $0x100;
	[sflag:s22] =	ssyncadd.s32 $0xFFFFC000  }
0x8d: {  	[tilespmem:s16], [sflag:$0x1] =	stream.indirect.gather [hbm4b:s4+s19], $0x80, s30, s19, $0xb8;
	[tilespmem:$0x1E800] =	vst v63  }
0x8e: {  	s31 =	simm.s32 $0x1480  }
0x8f: {  	[spmem:s1] =	stream.indirect.scatter.add.f32 [tilespmem:s21], [sflag:$0x3], $0x80, s31, s19, $0xb8;
	[tilespmem:$0x1E800] =	vst v63  }
0x90: {  	_ =	swait.ge [sflag:s17], $0x4000  }
0x91: {  	s26 =	simm.s32 $0x400;
	[sflag:s17] =	ssyncset.done $0x0  }
.LBB2_6:
0x92: {  	p0 =	sne.s32 s26, $0x4800  }
0x93: {  	[sflag:s17] =	ssyncadd.s32 $0xFFFFC000;
	s28 =	smov.u32 s26;
	s26 =	sadd.s32 $0x400, s26  }
0x94: {  	_ = 	snop  }
0x95: {  	_ =	swait.ge [sflag:s20], $0x4000  }
0x96: {  	s28 =	sshra.s32 s28, $0x2;
	[sflag:s20] =	ssyncset.done $0x0  }
0x97: {  	s29 =	sadd.s32 $0x80, s28;
	[sflag:s20] =	ssyncadd.s32 $0xFFFFC000  }
0x98: {  	[tilespmem:s21], [sflag:$0x2] =	stream.indirect.gather [hbm4b:s4+s19], $0x80, s29, s19, $0xb8;
	[tilespmem:$0x1E800] =	vst v63  }
0x99: {  	s29 =	sadd.s32 $0x1400, s28  }
0x9a: {  	[spmem:s1] =	stream.indirect.scatter.add.f32 [tilespmem:s16], [sflag:$0x3], $0x80, s29, s19, $0xb8;
	[tilespmem:$0x1E800] =	vst v63  }
0x9b: {  	_ =	swait.ge [sflag:s17], $0x4000  }
0x9c: {  	[sflag:s17] =	ssyncset.done $0x0  }
0x9d: {  	[sflag:s17] =	ssyncadd.s32 $0xFFFFC000  }
0x9e: {  	_ =	swait.ge [sflag:s22], $0x4000  }
0x9f: {  	[sflag:s22] =	ssyncset.done $0x0  }
0xa0: {  	s29 =	sadd.s32 $0x100, s28;
	[sflag:s22] =	ssyncadd.s32 $0xFFFFC000  }
0xa1: {  	[tilespmem:s16], [sflag:$0x1] =	stream.indirect.gather [hbm4b:s4+s19], $0x80, s29, s19, $0xb8;
	[tilespmem:$0x1E800] =	vst v63  }
.Ltmp2:
0xa2: {  	_ = 	snop;
	(pc) =	sbr.rel @p0 .LBB2_6-.Ltmp2, $4  }
0xa3: {  	s28 =	sadd.s32 $0x1480, s28  }
0xa4: {  	[spmem:s1] =	stream.indirect.scatter.add.f32 [tilespmem:s21], [sflag:$0x3], $0x80, s28, s19, $0xb8;
	[tilespmem:$0x1E800] =	vst v63  }
0xa5: {  	_ =	swait.ge [sflag:s17], $0x4000  }
0xa6: {  	[sflag:s17] =	ssyncset.done $0x0  }
0xa7: {  	[sflag:s17] =	ssyncadd.s32 $0xFFFFC000  }
0xa8: {  	_ =	swait.ge [sflag:s20], $0x4000  }
0xa9: {  	[sflag:s20] =	ssyncset.done $0x0  }
0xaa: {  	[sflag:s20] =	ssyncadd.s32 $0xFFFFC000  }
0xab: {  	[tilespmem:s21], [sflag:$0x2] =	stream.indirect.gather [hbm4b:s4+s19], $0x80, s23, s19, $0xb8;
	[tilespmem:$0x1E800] =	vst v63  }
0xac: {  	_ = 	snop  }
0xad: {  	[spmem:s1] =	stream.indirect.scatter.add.f32 [tilespmem:s16], [sflag:$0x3], $0x80, s24, s19, $0xb8;
	[tilespmem:$0x1E800] =	vst v63  }
0xae: {  	_ =	swait.ge [sflag:s17], $0x4000  }
0xaf: {  	[sflag:s17] =	ssyncset.done $0x0  }
0xb0: {  	[sflag:s17] =	ssyncadd.s32 $0xFFFFC000  }
0xb1: {  	_ =	swait.ge [sflag:s22], $0x4000  }
0xb2: {  	[sflag:s22] =	ssyncset.done $0x0  }
0xb3: {  	[sflag:s22] =	ssyncadd.s32 $0xFFFFC000  }
0xb4: {  	[spmem:s1] =	stream.indirect.scatter.add.f32 [tilespmem:s21], [sflag:$0x3], $0x80, s25, s19, $0xb8;
	[tilespmem:$0x1E800] =	vst v63  }
0xb5: {  	_ =	swait.ge [sflag:s17], $0x4000  }
0xb6: {  	s26 =	sshll.u32 s2, $0x6;
	s3 =	sadd.s32 $0x1, s3;
	[sflag:s17] =	ssyncset.done $0x0  }
0xb7: {  	s28 =	sshrl.u32 s5, $0x3;
	p0 =	sne.s32 s3, s15;
	[sflag:s17] =	ssyncadd.s32 $0xFFFFC000  }
.Ltmp3:
0xb8: {  	s26 =	sor.u32 $0x1C03, s26;
	[bflag:$0x0] =	sbarrier.arrive $0xFFFF;
	(pc) =	sbr.rel @p0 .LBB2_1-.Ltmp3, $4  }
0xb9: {  	[hbm:s14], [sflag:s26] =	dma.local [spmem:s28], $0x2800  }
0xba: {  	_ =	swait.ge [sflag:s17], $0x2800  }
0xbb: {  	[sflag:s17] =	ssyncset.done $0x0  }
0xbc: {  	[sflag:s17] =	ssyncadd.s32 $0xFFFFD800  }
0xbd: {  	_ =	sfence.sel $0x180000  }
0xbe: {  	[bflag:$0x0] =	sbarrier.arrive $0xFFFF  }
0xbf: {  	p0 =	sne.s32 s2, $0x0;
	_ =	strace $0x9000004A  }
0xc0: {  	s0 =	sadd.s32 @!p0 $0x100000, s0;
	[bflag:$0x2] =	sbarrier.arrive $0xFFFF  }
0xc1: {  	[sflag:s0] =	ssyncadd.tile.s32 @!p0 $0x1;
	_ =	shalt  }
.Lfunc_end2:
_tile_overlayer_lowered:
.L_overlay_start_2:
0xc2: {  	(tag) =	ssettag $0x2  }
0xc3: {  	s0 =	rddreg [dreg:$0x0];
	s2 =	stileid.u32  }
0xc4: {  	s1 =	rddreg [dreg:$0x1];
	p0 =	sne.s32 s2, $0x0  }
0xc5: {  	s3 =	rddreg [dreg:$0x2];
	[bflag:$0x3] =	sbarrier.arrive $0xFFFF;
	s2 =	simm.s32 @!p0 $0x1C03  }
0xc6: {  	[timem:s3], [sflag:s2] =	dma.local @!p0 [hbm:s0], s1  }
0xc7: {  	s0 =	simm.s32 @!p0 $0x3  }
0xc8: {  	_ =	swait.ge @!p0 [sflag:s0], s1  }
0xc9: {  	s1 =	ssub.s32 @!p0 $0x0, s1;
	[sflag:s0] =	ssyncset.done @!p0 $0x0  }
0xca: {  	[sflag:s0] =	ssyncadd.s32 @!p0 s1  }
0xcb: {  	[bflag:$0x3] =	sbarrier.arrive $0xFFFF  }
0xcc: {  	_ =	shalt  }

</sc_bundles>
